<compile_context>
chip_gen: v7x
topology: tpu7x:2x2x1
jax: 0.10.2.dev20260603
libtpu: 0.0.44.dev20260713+nightly
codegen_flags: <defaults>
</compile_context>

<pallas_src>
import functools

import jax
import jax.numpy as jnp
from jax import lax
from jax.experimental import pallas as pl
from jax.experimental.pallas import tpu as pltpu
from jax.experimental.pallas import tpu_sc as plsc

N = 16
NC = 2
NS = 16
NW = NC * NS
LANES = 16


def _sb_body(x_hbm, out_hbm, xv, outv):
    c = lax.axis_index("c")
    s = lax.axis_index("s")
    wid = s * NC + c
    base = wid * LANES

    pltpu.sync_copy(x_hbm.at[:, pl.ds(base, LANES)], xv)

    ones = jnp.ones((N,), jnp.float32)
    zeros = jnp.zeros((N,), jnp.float32)

    def row_body(m, a):
        a = list(a)
        xr = [xv[m * N + n] for n in range(N)]

        S = [a[j + 1] for j in range(N - 1)] + [zeros]
        for d in (1, 2, 4, 8):
            S = [S[j] + S[j + d] if j + d < N else S[j] for j in range(N)]

        xc = [ones - xr[n] for n in range(N)]
        xa = [xr[n] * a[n] for n in range(N)]
        xca = [xc[n] * a[n] for n in range(N)]
        xcS = [xc[n] * S[n] for n in range(N)]

        h = ones
        for n in range(N):
            xh = xr[n] * h
            xch = xc[n] * h
            lt = jnp.maximum(jnp.minimum(xch - xcS[n], jnp.minimum(xch, xca[n])), zeros)
            xu = jnp.minimum(xh, xa[n])
            p = lt + xu
            outv[m * N + n] = p
            h = h - p
            a[n] = a[n] - p
        return tuple(a)

    lax.fori_loop(0, N, row_body, tuple([ones] * N), unroll=2)

    pltpu.sync_copy(outv, out_hbm.at[:, pl.ds(base, LANES)])


@functools.lru_cache(maxsize=None)
def _make(B):
    assert B == NW * LANES, B

    return pl.kernel(
        _sb_body,
        out_type=jax.ShapeDtypeStruct((N * N, B), jnp.float32),
        mesh=plsc.VectorSubcoreMesh(
            core_axis_name="c", subcore_axis_name="s", num_cores=NC, num_subcores=NS
        ),
        scratch_types=[
            pltpu.VMEM((N * N, LANES), jnp.float32),
            pltpu.VMEM((N * N, LANES), jnp.float32),
        ],
        compiler_params=pltpu.CompilerParams(
            use_tc_tiling_on_sc=False, needs_layout_passes=False, skip_device_barrier=True
        ),
    )


def kernel(x, x_mask):
    del x_mask
    B = x.shape[0]
    xt = jnp.transpose(jnp.reshape(x, (B, N * N)))
    out_t = _make(B)(xt)
    return jnp.reshape(jnp.transpose(out_t), (B, N, N))

# --- scband reference (transcript-rebuilt; emitter-appended) ---
"""Pipeline reference for scband-stick-breaking-56762287784065 (READ-ONLY COPY).

The authoritative reference and input builder live on the scoring server;
editing this copy changes nothing except your own understanding.
"""

import jax, jax.numpy as jnp
import numpy as np

B, N = 512, 16


def setup_inputs(seed: int = 0) -> dict:
    key = jax.random.key(seed)
    k1, k2 = jax.random.split(key)
    x = jax.random.uniform(k1, (B, N, N), dtype=jnp.float32)
    x_mask = jnp.ones((B, N, N), dtype=jnp.float32)
    return {"x": x, "x_mask": x_mask}


def reference(x, x_mask):
    # stick_breaking(x, x_mask): x is a permutation matrix in logistic
    # space (values in [0,1]); the loop builds the output permutation
    # matrix 'out' one entry (m, n) at a time over N*N sequential steps.
    n_dim = x.shape[2]
    b = x
    idx = jnp.arange(n_dim)

    def step_fn(out, step):
        m = step // n_dim
        n = step % n_dim
        row_lt_m = (idx < m).astype(out.dtype)   # rows strictly above m
        col_gt_n = (idx > n).astype(out.dtype)   # cols strictly right of n
        col_lt_n = (idx < n).astype(out.dtype)   # cols strictly left of n

        mask_row_m = jnp.take(x_mask, m, axis=1)          # [B, N] == x_mask[:, m, :]
        out_row_m = jnp.take(out, m, axis=1)              # [B, N] == out[:, m, :]
        out_col_n = jnp.take(out, n, axis=2)              # [B, N] == out[:, :, n]

        # sum over rows < m of out, per column: equals reduce_sum(x[:, :m, :], axis=1)
        sum_rows_lt_m = jnp.einsum('bij,i->bj', out, row_lt_m)  # [B, N]

        max_future_vals = jnp.maximum(0.0, mask_row_m - sum_rows_lt_m) * col_gt_n
        max_future_mass = jnp.sum(max_future_vals, axis=1)       # [B]

        sum_row_m_lt_n = jnp.sum(out_row_m * col_lt_n, axis=1)   # sum x[:, m, :n]
        sum_col_n_lt_m = jnp.sum(out_col_n * row_lt_m, axis=1)   # sum x[:, :m, n]

        xm_mn = jnp.take(mask_row_m, n, axis=1)                  # [B] == x_mask[:, m, n]
        lower = xm_mn * jnp.maximum(0.0, 1.0 - sum_row_m_lt_n - max_future_mass)
        upper = xm_mn * jnp.minimum(1.0 - sum_row_m_lt_n, 1.0 - sum_col_n_lt_m)
        lower = jnp.minimum(lower, upper)

        b_mn = jnp.take(jnp.take(b, m, axis=1), n, axis=1)       # [B] == b[:, m, n]
        p = jnp.clip(lower + b_mn * (upper - lower), 0.0, 1.0)   # [B]

        # scatter-overwrite out[:, m, n] = p
        out = jax.lax.dynamic_update_slice(out, p[:, None, None], (0, m, n))
        return out, None

    out0 = jnp.zeros_like(x)
    out, _ = jax.lax.scan(step_fn, out0, jnp.arange(n_dim * n_dim))
    return out

if __name__ == "__main__":
    import jax
    _d = setup_inputs()
    print(jax.jit(kernel)(*tuple(_d.values())))

</pallas_src>

<mosaic_0001>
#map = affine_map<(d0, d1) -> (0, 0)>
module attributes {stable_mosaic.version = 14 : i64} {
  func.func @_sb_body(%arg0: i32, %arg1: i32, %arg2: memref<256x512xf32, #tpu.memory_space<hbm>>, %arg3: memref<256x512xf32, #tpu.memory_space<hbm>>, %arg4: memref<256x16xf32, #tpu.memory_space<vmem>>, %arg5: memref<256x16xf32, #tpu.memory_space<vmem>>) attributes {dimension_semantics = [#tpu.dimension_semantics<core_parallel>, #tpu.dimension_semantics<subcore_parallel>], iteration_bounds = array<i64: 2, 16>, scalar_prefetch = 0 : i64, scratch_operands = 2 : i64, tpu.core_type = #tpu.core_type<sc_vector_subcore>, window_params = [{transform_indices = #map}, {transform_indices = #map}]} {
    %mul3A = arith.constant 2 : i32
    %mul3A_0 = arith.muli %arg1, %mul3A : i32
    %add3A = arith.addi %mul3A_0, %arg0 : i32
    %mul3A_1 = arith.constant 16 : i32
    %mul3A_2 = arith.muli %add3A, %mul3A_1 : i32
    "tpu.region"() ({
      %run_scoped3A = tpu.sem_alloc : memref<!tpu.dma_semaphore, #tpu.memory_space<semaphore_mem>>
      %dma_start3A = arith.constant 0 : i32
      %dma_start3A_11 = tpu.memref_slice %arg2[%dma_start3A, %mul3A_2] : memref<256x512xf32, #tpu.memory_space<hbm>> -> memref<256x16xf32, #tpu.memory_space<hbm>>
      %dma_start3A_12 = arith.constant 0 : i32
      %dma_start3A_13 = tpu.memref_slice %arg2[%dma_start3A_12, %mul3A_2] : memref<256x512xf32, #tpu.memory_space<hbm>> -> memref<256x16xf32, #tpu.memory_space<hbm>>
      tpu.enqueue_dma source(%dma_start3A_13 : memref<256x16xf32, #tpu.memory_space<hbm>>) target(%arg4 : memref<256x16xf32, #tpu.memory_space<vmem>>) target_semaphore(%run_scoped3A : memref<!tpu.dma_semaphore, #tpu.memory_space<semaphore_mem>>)
      %dma_wait3A = arith.constant 0 : i32
      %dma_wait3A_14 = tpu.memref_slice %arg2[%dma_wait3A, %mul3A_2] : memref<256x512xf32, #tpu.memory_space<hbm>> -> memref<256x16xf32, #tpu.memory_space<hbm>>
      %dma_wait3A_15 = arith.constant 0 : i32
      %dma_wait3A_16 = tpu.memref_slice %arg2[%dma_wait3A_15, %mul3A_2] : memref<256x512xf32, #tpu.memory_space<hbm>> -> memref<256x16xf32, #tpu.memory_space<hbm>>
      tpu.wait_dma2 semaphore(%run_scoped3A : memref<!tpu.dma_semaphore, #tpu.memory_space<semaphore_mem>>) src(%dma_wait3A_16 : memref<256x16xf32, #tpu.memory_space<hbm>>) dst(%arg4 : memref<256x16xf32, #tpu.memory_space<vmem>>)
      tpu.yield
    }) : () -> ()
    %broadcast_in_dim3A = arith.constant 1.000000e+00 : f32
    %broadcast_in_dim3A_3 = vector.broadcast %broadcast_in_dim3A : f32 to vector<16xf32>
    %broadcast_in_dim3A_4 = arith.constant 0.000000e+00 : f32
    %broadcast_in_dim3A_5 = vector.broadcast %broadcast_in_dim3A_4 : f32 to vector<16xf32>
    %scan3A = arith.constant 0 : i32
    %scan3A_6 = arith.constant 16 : i32
    %scan3A_7 = arith.addi %scan3A, %scan3A_6 : i32
    %scan3A_8 = arith.constant 2 : i32
    %scan3A_9:16 = scf.for %scan3A_11 = %scan3A to %scan3A_7 step %scan3A_8 iter_args(%scan3A_12 = %broadcast_in_dim3A_3, %scan3A_13 = %broadcast_in_dim3A_3, %scan3A_14 = %broadcast_in_dim3A_3, %scan3A_15 = %broadcast_in_dim3A_3, %scan3A_16 = %broadcast_in_dim3A_3, %scan3A_17 = %broadcast_in_dim3A_3, %scan3A_18 = %broadcast_in_dim3A_3, %scan3A_19 = %broadcast_in_dim3A_3, %scan3A_20 = %broadcast_in_dim3A_3, %scan3A_21 = %broadcast_in_dim3A_3, %scan3A_22 = %broadcast_in_dim3A_3, %scan3A_23 = %broadcast_in_dim3A_3, %scan3A_24 = %broadcast_in_dim3A_3, %scan3A_25 = %broadcast_in_dim3A_3, %scan3A_26 = %broadcast_in_dim3A_3, %scan3A_27 = %broadcast_in_dim3A_3) -> (vector<16xf32>, vector<16xf32>, vector<16xf32>, vector<16xf32>, vector<16xf32>, vector<16xf32>, vector<16xf32>, vector<16xf32>, vector<16xf32>, vector<16xf32>, vector<16xf32>, vector<16xf32>, vector<16xf32>, vector<16xf32>, vector<16xf32>, vector<16xf32>)  : i32 {
      %mul3A_28 = arith.constant 16 : i32
      %mul3A_29 = arith.muli %scan3A_11, %mul3A_28 : i32
      %add3A_30 = arith.constant 0 : i32
      %add3A_31 = arith.addi %mul3A_29, %add3A_30 : i32
      %get3A = arith.index_cast %add3A_31 : i32 to index
      %get3A_32 = arith.constant 0 : index
      %get3A_33 = tpu.vector_load %arg4[%get3A, %get3A_32] {strides = array<i32>} : memref<256x16xf32, #tpu.memory_space<vmem>>, vector<16xf32>,
      %mul3A_34 = arith.constant 16 : i32
      %mul3A_35 = arith.muli %scan3A_11, %mul3A_34 : i32
      %add3A_36 = arith.constant 1 : i32
      %add3A_37 = arith.addi %mul3A_35, %add3A_36 : i32
      %get3A_38 = arith.index_cast %add3A_37 : i32 to index
      %get3A_39 = arith.constant 0 : index
      %get3A_40 = tpu.vector_load %arg4[%get3A_38, %get3A_39] {strides = array<i32>} : memref<256x16xf32, #tpu.memory_space<vmem>>, vector<16xf32>,
      %mul3A_41 = arith.constant 16 : i32
      %mul3A_42 = arith.muli %scan3A_11, %mul3A_41 : i32
      %add3A_43 = arith.constant 2 : i32
      %add3A_44 = arith.addi %mul3A_42, %add3A_43 : i32
      %get3A_45 = arith.index_cast %add3A_44 : i32 to index
      %get3A_46 = arith.constant 0 : index
      %get3A_47 = tpu.vector_load %arg4[%get3A_45, %get3A_46] {strides = array<i32>} : memref<256x16xf32, #tpu.memory_space<vmem>>, vector<16xf32>,
      %mul3A_48 = arith.constant 16 : i32
      %mul3A_49 = arith.muli %scan3A_11, %mul3A_48 : i32
      %add3A_50 = arith.constant 3 : i32
      %add3A_51 = arith.addi %mul3A_49, %add3A_50 : i32
      %get3A_52 = arith.index_cast %add3A_51 : i32 to index
      %get3A_53 = arith.constant 0 : index
      %get3A_54 = tpu.vector_load %arg4[%get3A_52, %get3A_53] {strides = array<i32>} : memref<256x16xf32, #tpu.memory_space<vmem>>, vector<16xf32>,
      %mul3A_55 = arith.constant 16 : i32
      %mul3A_56 = arith.muli %scan3A_11, %mul3A_55 : i32
      %add3A_57 = arith.constant 4 : i32
      %add3A_58 = arith.addi %mul3A_56, %add3A_57 : i32
      %get3A_59 = arith.index_cast %add3A_58 : i32 to index
      %get3A_60 = arith.constant 0 : index
      %get3A_61 = tpu.vector_load %arg4[%get3A_59, %get3A_60] {strides = array<i32>} : memref<256x16xf32, #tpu.memory_space<vmem>>, vector<16xf32>,
      %mul3A_62 = arith.constant 16 : i32
      %mul3A_63 = arith.muli %scan3A_11, %mul3A_62 : i32
      %add3A_64 = arith.constant 5 : i32
      %add3A_65 = arith.addi %mul3A_63, %add3A_64 : i32
      %get3A_66 = arith.index_cast %add3A_65 : i32 to index
      %get3A_67 = arith.constant 0 : index
      %get3A_68 = tpu.vector_load %arg4[%get3A_66, %get3A_67] {strides = array<i32>} : memref<256x16xf32, #tpu.memory_space<vmem>>, vector<16xf32>,
      %mul3A_69 = arith.constant 16 : i32
      %mul3A_70 = arith.muli %scan3A_11, %mul3A_69 : i32
      %add3A_71 = arith.constant 6 : i32
      %add3A_72 = arith.addi %mul3A_70, %add3A_71 : i32
      %get3A_73 = arith.index_cast %add3A_72 : i32 to index
      %get3A_74 = arith.constant 0 : index
      %get3A_75 = tpu.vector_load %arg4[%get3A_73, %get3A_74] {strides = array<i32>} : memref<256x16xf32, #tpu.memory_space<vmem>>, vector<16xf32>,
      %mul3A_76 = arith.constant 16 : i32
      %mul3A_77 = arith.muli %scan3A_11, %mul3A_76 : i32
      %add3A_78 = arith.constant 7 : i32
      %add3A_79 = arith.addi %mul3A_77, %add3A_78 : i32
      %get3A_80 = arith.index_cast %add3A_79 : i32 to index
      %get3A_81 = arith.constant 0 : index
      %get3A_82 = tpu.vector_load %arg4[%get3A_80, %get3A_81] {strides = array<i32>} : memref<256x16xf32, #tpu.memory_space<vmem>>, vector<16xf32>,
      %mul3A_83 = arith.constant 16 : i32
      %mul3A_84 = arith.muli %scan3A_11, %mul3A_83 : i32
      %add3A_85 = arith.constant 8 : i32
      %add3A_86 = arith.addi %mul3A_84, %add3A_85 : i32
      %get3A_87 = arith.index_cast %add3A_86 : i32 to index
      %get3A_88 = arith.constant 0 : index
      %get3A_89 = tpu.vector_load %arg4[%get3A_87, %get3A_88] {strides = array<i32>} : memref<256x16xf32, #tpu.memory_space<vmem>>, vector<16xf32>,
      %mul3A_90 = arith.constant 16 : i32
      %mul3A_91 = arith.muli %scan3A_11, %mul3A_90 : i32
      %add3A_92 = arith.constant 9 : i32
      %add3A_93 = arith.addi %mul3A_91, %add3A_92 : i32
      %get3A_94 = arith.index_cast %add3A_93 : i32 to index
      %get3A_95 = arith.constant 0 : index
      %get3A_96 = tpu.vector_load %arg4[%get3A_94, %get3A_95] {strides = array<i32>} : memref<256x16xf32, #tpu.memory_space<vmem>>, vector<16xf32>,
      %mul3A_97 = arith.constant 16 : i32
      %mul3A_98 = arith.muli %scan3A_11, %mul3A_97 : i32
      %add3A_99 = arith.constant 10 : i32
      %add3A_100 = arith.addi %mul3A_98, %add3A_99 : i32
      %get3A_101 = arith.index_cast %add3A_100 : i32 to index
      %get3A_102 = arith.constant 0 : index
      %get3A_103 = tpu.vector_load %arg4[%get3A_101, %get3A_102] {strides = array<i32>} : memref<256x16xf32, #tpu.memory_space<vmem>>, vector<16xf32>,
      %mul3A_104 = arith.constant 16 : i32
      %mul3A_105 = arith.muli %scan3A_11, %mul3A_104 : i32
      %add3A_106 = arith.constant 11 : i32
      %add3A_107 = arith.addi %mul3A_105, %add3A_106 : i32
      %get3A_108 = arith.index_cast %add3A_107 : i32 to index
      %get3A_109 = arith.constant 0 : index
      %get3A_110 = tpu.vector_load %arg4[%get3A_108, %get3A_109] {strides = array<i32>} : memref<256x16xf32, #tpu.memory_space<vmem>>, vector<16xf32>,
      %mul3A_111 = arith.constant 16 : i32
      %mul3A_112 = arith.muli %scan3A_11, %mul3A_111 : i32
      %add3A_113 = arith.constant 12 : i32
      %add3A_114 = arith.addi %mul3A_112, %add3A_113 : i32
      %get3A_115 = arith.index_cast %add3A_114 : i32 to index
      %get3A_116 = arith.constant 0 : index
      %get3A_117 = tpu.vector_load %arg4[%get3A_115, %get3A_116] {strides = array<i32>} : memref<256x16xf32, #tpu.memory_space<vmem>>, vector<16xf32>,
      %mul3A_118 = arith.constant 16 : i32
      %mul3A_119 = arith.muli %scan3A_11, %mul3A_118 : i32
      %add3A_120 = arith.constant 13 : i32
      %add3A_121 = arith.addi %mul3A_119, %add3A_120 : i32
      %get3A_122 = arith.index_cast %add3A_121 : i32 to index
      %get3A_123 = arith.constant 0 : index
      %get3A_124 = tpu.vector_load %arg4[%get3A_122, %get3A_123] {strides = array<i32>} : memref<256x16xf32, #tpu.memory_space<vmem>>, vector<16xf32>,
      %mul3A_125 = arith.constant 16 : i32
      %mul3A_126 = arith.muli %scan3A_11, %mul3A_125 : i32
      %add3A_127 = arith.constant 14 : i32
      %add3A_128 = arith.addi %mul3A_126, %add3A_127 : i32
      %get3A_129 = arith.index_cast %add3A_128 : i32 to index
      %get3A_130 = arith.constant 0 : index
      %get3A_131 = tpu.vector_load %arg4[%get3A_129, %get3A_130] {strides = array<i32>} : memref<256x16xf32, #tpu.memory_space<vmem>>, vector<16xf32>,
      %mul3A_132 = arith.constant 16 : i32
      %mul3A_133 = arith.muli %scan3A_11, %mul3A_132 : i32
      %add3A_134 = arith.constant 15 : i32
      %add3A_135 = arith.addi %mul3A_133, %add3A_134 : i32
      %get3A_136 = arith.index_cast %add3A_135 : i32 to index
      %get3A_137 = arith.constant 0 : index
      %get3A_138 = tpu.vector_load %arg4[%get3A_136, %get3A_137] {strides = array<i32>} : memref<256x16xf32, #tpu.memory_space<vmem>>, vector<16xf32>,
      %add3A_139 = arith.addf %scan3A_13, %scan3A_14 : vector<16xf32>
      %add3A_140 = arith.addf %scan3A_14, %scan3A_15 : vector<16xf32>
      %add3A_141 = arith.addf %scan3A_15, %scan3A_16 : vector<16xf32>
      %add3A_142 = arith.addf %scan3A_16, %scan3A_17 : vector<16xf32>
      %add3A_143 = arith.addf %scan3A_17, %scan3A_18 : vector<16xf32>
      %add3A_144 = arith.addf %scan3A_18, %scan3A_19 : vector<16xf32>
      %add3A_145 = arith.addf %scan3A_19, %scan3A_20 : vector<16xf32>
      %add3A_146 = arith.addf %scan3A_20, %scan3A_21 : vector<16xf32>
      %add3A_147 = arith.addf %scan3A_21, %scan3A_22 : vector<16xf32>
      %add3A_148 = arith.addf %scan3A_22, %scan3A_23 : vector<16xf32>
      %add3A_149 = arith.addf %scan3A_23, %scan3A_24 : vector<16xf32>
      %add3A_150 = arith.addf %scan3A_24, %scan3A_25 : vector<16xf32>
      %add3A_151 = arith.addf %scan3A_25, %scan3A_26 : vector<16xf32>
      %add3A_152 = arith.addf %scan3A_26, %scan3A_27 : vector<16xf32>
      %add3A_153 = arith.addf %scan3A_27, %broadcast_in_dim3A_5 : vector<16xf32>
      %add3A_154 = arith.addf %add3A_139, %add3A_141 : vector<16xf32>
      %add3A_155 = arith.addf %add3A_140, %add3A_142 : vector<16xf32>
      %add3A_156 = arith.addf %add3A_141, %add3A_143 : vector<16xf32>
      %add3A_157 = arith.addf %add3A_142, %add3A_144 : vector<16xf32>
      %add3A_158 = arith.addf %add3A_143, %add3A_145 : vector<16xf32>
      %add3A_159 = arith.addf %add3A_144, %add3A_146 : vector<16xf32>
      %add3A_160 = arith.addf %add3A_145, %add3A_147 : vector<16xf32>
      %add3A_161 = arith.addf %add3A_146, %add3A_148 : vector<16xf32>
      %add3A_162 = arith.addf %add3A_147, %add3A_149 : vector<16xf32>
      %add3A_163 = arith.addf %add3A_148, %add3A_150 : vector<16xf32>
      %add3A_164 = arith.addf %add3A_149, %add3A_151 : vector<16xf32>
      %add3A_165 = arith.addf %add3A_150, %add3A_152 : vector<16xf32>
      %add3A_166 = arith.addf %add3A_151, %add3A_153 : vector<16xf32>
      %add3A_167 = arith.addf %add3A_152, %broadcast_in_dim3A_5 : vector<16xf32>
      %add3A_168 = arith.addf %add3A_154, %add3A_158 : vector<16xf32>
      %add3A_169 = arith.addf %add3A_155, %add3A_159 : vector<16xf32>
      %add3A_170 = arith.addf %add3A_156, %add3A_160 : vector<16xf32>
      %add3A_171 = arith.addf %add3A_157, %add3A_161 : vector<16xf32>
      %add3A_172 = arith.addf %add3A_158, %add3A_162 : vector<16xf32>
      %add3A_173 = arith.addf %add3A_159, %add3A_163 : vector<16xf32>
      %add3A_174 = arith.addf %add3A_160, %add3A_164 : vector<16xf32>
      %add3A_175 = arith.addf %add3A_161, %add3A_165 : vector<16xf32>
      %add3A_176 = arith.addf %add3A_162, %add3A_166 : vector<16xf32>
      %add3A_177 = arith.addf %add3A_163, %add3A_167 : vector<16xf32>
      %add3A_178 = arith.addf %add3A_164, %add3A_153 : vector<16xf32>
      %add3A_179 = arith.addf %add3A_165, %broadcast_in_dim3A_5 : vector<16xf32>
      %add3A_180 = arith.addf %add3A_168, %add3A_176 : vector<16xf32>
      %add3A_181 = arith.addf %add3A_169, %add3A_177 : vector<16xf32>
      %add3A_182 = arith.addf %add3A_170, %add3A_178 : vector<16xf32>
      %add3A_183 = arith.addf %add3A_171, %add3A_179 : vector<16xf32>
      %add3A_184 = arith.addf %add3A_172, %add3A_166 : vector<16xf32>
      %add3A_185 = arith.addf %add3A_173, %add3A_167 : vector<16xf32>
      %add3A_186 = arith.addf %add3A_174, %add3A_153 : vector<16xf32>
      %add3A_187 = arith.addf %add3A_175, %broadcast_in_dim3A_5 : vector<16xf32>
      %sub3A = arith.subf %broadcast_in_dim3A_3, %get3A_33 : vector<16xf32>
      %sub3A_188 = arith.subf %broadcast_in_dim3A_3, %get3A_40 : vector<16xf32>
      %sub3A_189 = arith.subf %broadcast_in_dim3A_3, %get3A_47 : vector<16xf32>
      %sub3A_190 = arith.subf %broadcast_in_dim3A_3, %get3A_54 : vector<16xf32>
      %sub3A_191 = arith.subf %broadcast_in_dim3A_3, %get3A_61 : vector<16xf32>
      %sub3A_192 = arith.subf %broadcast_in_dim3A_3, %get3A_68 : vector<16xf32>
      %sub3A_193 = arith.subf %broadcast_in_dim3A_3, %get3A_75 : vector<16xf32>
      %sub3A_194 = arith.subf %broadcast_in_dim3A_3, %get3A_82 : vector<16xf32>
      %sub3A_195 = arith.subf %broadcast_in_dim3A_3, %get3A_89 : vector<16xf32>
      %sub3A_196 = arith.subf %broadcast_in_dim3A_3, %get3A_96 : vector<16xf32>
      %sub3A_197 = arith.subf %broadcast_in_dim3A_3, %get3A_103 : vector<16xf32>
      %sub3A_198 = arith.subf %broadcast_in_dim3A_3, %get3A_110 : vector<16xf32>
      %sub3A_199 = arith.subf %broadcast_in_dim3A_3, %get3A_117 : vector<16xf32>
      %sub3A_200 = arith.subf %broadcast_in_dim3A_3, %get3A_124 : vector<16xf32>
      %sub3A_201 = arith.subf %broadcast_in_dim3A_3, %get3A_131 : vector<16xf32>
      %sub3A_202 = arith.subf %broadcast_in_dim3A_3, %get3A_138 : vector<16xf32>
      %mul3A_203 = arith.mulf %get3A_33, %scan3A_12 : vector<16xf32>
      %mul3A_204 = arith.mulf %get3A_40, %scan3A_13 : vector<16xf32>
      %mul3A_205 = arith.mulf %get3A_47, %scan3A_14 : vector<16xf32>
      %mul3A_206 = arith.mulf %get3A_54, %scan3A_15 : vector<16xf32>
      %mul3A_207 = arith.mulf %get3A_61, %scan3A_16 : vector<16xf32>
      %mul3A_208 = arith.mulf %get3A_68, %scan3A_17 : vector<16xf32>
      %mul3A_209 = arith.mulf %get3A_75, %scan3A_18 : vector<16xf32>
      %mul3A_210 = arith.mulf %get3A_82, %scan3A_19 : vector<16xf32>
      %mul3A_211 = arith.mulf %get3A_89, %scan3A_20 : vector<16xf32>
      %mul3A_212 = arith.mulf %get3A_96, %scan3A_21 : vector<16xf32>
      %mul3A_213 = arith.mulf %get3A_103, %scan3A_22 : vector<16xf32>
      %mul3A_214 = arith.mulf %get3A_110, %scan3A_23 : vector<16xf32>
      %mul3A_215 = arith.mulf %get3A_117, %scan3A_24 : vector<16xf32>
      %mul3A_216 = arith.mulf %get3A_124, %scan3A_25 : vector<16xf32>
      %mul3A_217 = arith.mulf %get3A_131, %scan3A_26 : vector<16xf32>
      %mul3A_218 = arith.mulf %get3A_138, %scan3A_27 : vector<16xf32>
      %mul3A_219 = arith.mulf %sub3A, %scan3A_12 : vector<16xf32>
      %mul3A_220 = arith.mulf %sub3A_188, %scan3A_13 : vector<16xf32>
      %mul3A_221 = arith.mulf %sub3A_189, %scan3A_14 : vector<16xf32>
      %mul3A_222 = arith.mulf %sub3A_190, %scan3A_15 : vector<16xf32>
      %mul3A_223 = arith.mulf %sub3A_191, %scan3A_16 : vector<16xf32>
      %mul3A_224 = arith.mulf %sub3A_192, %scan3A_17 : vector<16xf32>
      %mul3A_225 = arith.mulf %sub3A_193, %scan3A_18 : vector<16xf32>
      %mul3A_226 = arith.mulf %sub3A_194, %scan3A_19 : vector<16xf32>
      %mul3A_227 = arith.mulf %sub3A_195, %scan3A_20 : vector<16xf32>
      %mul3A_228 = arith.mulf %sub3A_196, %scan3A_21 : vector<16xf32>
      %mul3A_229 = arith.mulf %sub3A_197, %scan3A_22 : vector<16xf32>
      %mul3A_230 = arith.mulf %sub3A_198, %scan3A_23 : vector<16xf32>
      %mul3A_231 = arith.mulf %sub3A_199, %scan3A_24 : vector<16xf32>
      %mul3A_232 = arith.mulf %sub3A_200, %scan3A_25 : vector<16xf32>
      %mul3A_233 = arith.mulf %sub3A_201, %scan3A_26 : vector<16xf32>
      %mul3A_234 = arith.mulf %sub3A_202, %scan3A_27 : vector<16xf32>
      %mul3A_235 = arith.mulf %sub3A, %add3A_180 : vector<16xf32>
      %mul3A_236 = arith.mulf %sub3A_188, %add3A_181 : vector<16xf32>
      %mul3A_237 = arith.mulf %sub3A_189, %add3A_182 : vector<16xf32>
      %mul3A_238 = arith.mulf %sub3A_190, %add3A_183 : vector<16xf32>
      %mul3A_239 = arith.mulf %sub3A_191, %add3A_184 : vector<16xf32>
      %mul3A_240 = arith.mulf %sub3A_192, %add3A_185 : vector<16xf32>
      %mul3A_241 = arith.mulf %sub3A_193, %add3A_186 : vector<16xf32>
      %mul3A_242 = arith.mulf %sub3A_194, %add3A_187 : vector<16xf32>
      %mul3A_243 = arith.mulf %sub3A_195, %add3A_176 : vector<16xf32>
      %mul3A_244 = arith.mulf %sub3A_196, %add3A_177 : vector<16xf32>
      %mul3A_245 = arith.mulf %sub3A_197, %add3A_178 : vector<16xf32>
      %mul3A_246 = arith.mulf %sub3A_198, %add3A_179 : vector<16xf32>
      %mul3A_247 = arith.mulf %sub3A_199, %add3A_166 : vector<16xf32>
      %mul3A_248 = arith.mulf %sub3A_200, %add3A_167 : vector<16xf32>
      %mul3A_249 = arith.mulf %sub3A_201, %add3A_153 : vector<16xf32>
      %mul3A_250 = arith.mulf %sub3A_202, %broadcast_in_dim3A_5 : vector<16xf32>
      %mul3A_251 = arith.mulf %get3A_33, %broadcast_in_dim3A_3 : vector<16xf32>
      %mul3A_252 = arith.mulf %sub3A, %broadcast_in_dim3A_3 : vector<16xf32>
      %sub3A_253 = arith.subf %mul3A_252, %mul3A_235 : vector<16xf32>
      %min3A = arith.minimumf %mul3A_252, %mul3A_219 : vector<16xf32>
      %min3A_254 = arith.minimumf %sub3A_253, %min3A : vector<16xf32>
      %max3A = arith.maximumf %min3A_254, %broadcast_in_dim3A_5 : vector<16xf32>
      %min3A_255 = arith.minimumf %mul3A_251, %mul3A_203 : vector<16xf32>
      %add3A_256 = arith.addf %max3A, %min3A_255 : vector<16xf32>
      %mul3A_257 = arith.constant 16 : i32
      %mul3A_258 = arith.muli %scan3A_11, %mul3A_257 : i32
      %add3A_259 = arith.constant 0 : i32
      %add3A_260 = arith.addi %mul3A_258, %add3A_259 : i32
      %swap3A = arith.index_cast %add3A_260 : i32 to index
      %swap3A_261 = arith.constant 0 : index
      %swap3A_262 = tpu.vector_load %arg5[%swap3A, %swap3A_261] {strides = array<i32>} : memref<256x16xf32, #tpu.memory_space<vmem>>, vector<16xf32>,
      tpu.vector_store %arg5[%swap3A, %swap3A_261], %add3A_256 {strides = array<i32>} : memref<256x16xf32, #tpu.memory_space<vmem>>, vector<16xf32>,
      %sub3A_263 = arith.subf %broadcast_in_dim3A_3, %add3A_256 : vector<16xf32>
      %sub3A_264 = arith.subf %scan3A_12, %add3A_256 : vector<16xf32>
      %mul3A_265 = arith.mulf %get3A_40, %sub3A_263 : vector<16xf32>
      %mul3A_266 = arith.mulf %sub3A_188, %sub3A_263 : vector<16xf32>
      %sub3A_267 = arith.subf %mul3A_266, %mul3A_236 : vector<16xf32>
      %min3A_268 = arith.minimumf %mul3A_266, %mul3A_220 : vector<16xf32>
      %min3A_269 = arith.minimumf %sub3A_267, %min3A_268 : vector<16xf32>
      %max3A_270 = arith.maximumf %min3A_269, %broadcast_in_dim3A_5 : vector<16xf32>
      %min3A_271 = arith.minimumf %mul3A_265, %mul3A_204 : vector<16xf32>
      %add3A_272 = arith.addf %max3A_270, %min3A_271 : vector<16xf32>
      %mul3A_273 = arith.constant 16 : i32
      %mul3A_274 = arith.muli %scan3A_11, %mul3A_273 : i32
      %add3A_275 = arith.constant 1 : i32
      %add3A_276 = arith.addi %mul3A_274, %add3A_275 : i32
      %swap3A_277 = arith.index_cast %add3A_276 : i32 to index
      %swap3A_278 = arith.constant 0 : index
      %swap3A_279 = tpu.vector_load %arg5[%swap3A_277, %swap3A_278] {strides = array<i32>} : memref<256x16xf32, #tpu.memory_space<vmem>>, vector<16xf32>,
      tpu.vector_store %arg5[%swap3A_277, %swap3A_278], %add3A_272 {strides = array<i32>} : memref<256x16xf32, #tpu.memory_space<vmem>>, vector<16xf32>,
      %sub3A_280 = arith.subf %sub3A_263, %add3A_272 : vector<16xf32>
      %sub3A_281 = arith.subf %scan3A_13, %add3A_272 : vector<16xf32>
      %mul3A_282 = arith.mulf %get3A_47, %sub3A_280 : vector<16xf32>
      %mul3A_283 = arith.mulf %sub3A_189, %sub3A_280 : vector<16xf32>
      %sub3A_284 = arith.subf %mul3A_283, %mul3A_237 : vector<16xf32>
      %min3A_285 = arith.minimumf %mul3A_283, %mul3A_221 : vector<16xf32>
      %min3A_286 = arith.minimumf %sub3A_284, %min3A_285 : vector<16xf32>
      %max3A_287 = arith.maximumf %min3A_286, %broadcast_in_dim3A_5 : vector<16xf32>
      %min3A_288 = arith.minimumf %mul3A_282, %mul3A_205 : vector<16xf32>
      %add3A_289 = arith.addf %max3A_287, %min3A_288 : vector<16xf32>
      %mul3A_290 = arith.constant 16 : i32
      %mul3A_291 = arith.muli %scan3A_11, %mul3A_290 : i32
      %add3A_292 = arith.constant 2 : i32
      %add3A_293 = arith.addi %mul3A_291, %add3A_292 : i32
      %swap3A_294 = arith.index_cast %add3A_293 : i32 to index
      %swap3A_295 = arith.constant 0 : index
      %swap3A_296 = tpu.vector_load %arg5[%swap3A_294, %swap3A_295] {strides = array<i32>} : memref<256x16xf32, #tpu.memory_space<vmem>>, vector<16xf32>,
      tpu.vector_store %arg5[%swap3A_294, %swap3A_295], %add3A_289 {strides = array<i32>} : memref<256x16xf32, #tpu.memory_space<vmem>>, vector<16xf32>,
      %sub3A_297 = arith.subf %sub3A_280, %add3A_289 : vector<16xf32>
      %sub3A_298 = arith.subf %scan3A_14, %add3A_289 : vector<16xf32>
      %mul3A_299 = arith.mulf %get3A_54, %sub3A_297 : vector<16xf32>
      %mul3A_300 = arith.mulf %sub3A_190, %sub3A_297 : vector<16xf32>
      %sub3A_301 = arith.subf %mul3A_300, %mul3A_238 : vector<16xf32>
      %min3A_302 = arith.minimumf %mul3A_300, %mul3A_222 : vector<16xf32>
      %min3A_303 = arith.minimumf %sub3A_301, %min3A_302 : vector<16xf32>
      %max3A_304 = arith.maximumf %min3A_303, %broadcast_in_dim3A_5 : vector<16xf32>
      %min3A_305 = arith.minimumf %mul3A_299, %mul3A_206 : vector<16xf32>
      %add3A_306 = arith.addf %max3A_304, %min3A_305 : vector<16xf32>
      %mul3A_307 = arith.constant 16 : i32
      %mul3A_308 = arith.muli %scan3A_11, %mul3A_307 : i32
      %add3A_309 = arith.constant 3 : i32
      %add3A_310 = arith.addi %mul3A_308, %add3A_309 : i32
      %swap3A_311 = arith.index_cast %add3A_310 : i32 to index
      %swap3A_312 = arith.constant 0 : index
      %swap3A_313 = tpu.vector_load %arg5[%swap3A_311, %swap3A_312] {strides = array<i32>} : memref<256x16xf32, #tpu.memory_space<vmem>>, vector<16xf32>,
      tpu.vector_store %arg5[%swap3A_311, %swap3A_312], %add3A_306 {strides = array<i32>} : memref<256x16xf32, #tpu.memory_space<vmem>>, vector<16xf32>,
      %sub3A_314 = arith.subf %sub3A_297, %add3A_306 : vector<16xf32>
      %sub3A_315 = arith.subf %scan3A_15, %add3A_306 : vector<16xf32>
      %mul3A_316 = arith.mulf %get3A_61, %sub3A_314 : vector<16xf32>
      %mul3A_317 = arith.mulf %sub3A_191, %sub3A_314 : vector<16xf32>
      %sub3A_318 = arith.subf %mul3A_317, %mul3A_239 : vector<16xf32>
      %min3A_319 = arith.minimumf %mul3A_317, %mul3A_223 : vector<16xf32>
      %min3A_320 = arith.minimumf %sub3A_318, %min3A_319 : vector<16xf32>
      %max3A_321 = arith.maximumf %min3A_320, %broadcast_in_dim3A_5 : vector<16xf32>
      %min3A_322 = arith.minimumf %mul3A_316, %mul3A_207 : vector<16xf32>
      %add3A_323 = arith.addf %max3A_321, %min3A_322 : vector<16xf32>
      %mul3A_324 = arith.constant 16 : i32
      %mul3A_325 = arith.muli %scan3A_11, %mul3A_324 : i32
      %add3A_326 = arith.constant 4 : i32
      %add3A_327 = arith.addi %mul3A_325, %add3A_326 : i32
      %swap3A_328 = arith.index_cast %add3A_327 : i32 to index
      %swap3A_329 = arith.constant 0 : index
      %swap3A_330 = tpu.vector_load %arg5[%swap3A_328, %swap3A_329] {strides = array<i32>} : memref<256x16xf32, #tpu.memory_space<vmem>>, vector<16xf32>,
      tpu.vector_store %arg5[%swap3A_328, %swap3A_329], %add3A_323 {strides = array<i32>} : memref<256x16xf32, #tpu.memory_space<vmem>>, vector<16xf32>,
      %sub3A_331 = arith.subf %sub3A_314, %add3A_323 : vector<16xf32>
      %sub3A_332 = arith.subf %scan3A_16, %add3A_323 : vector<16xf32>
      %mul3A_333 = arith.mulf %get3A_68, %sub3A_331 : vector<16xf32>
      %mul3A_334 = arith.mulf %sub3A_192, %sub3A_331 : vector<16xf32>
      %sub3A_335 = arith.subf %mul3A_334, %mul3A_240 : vector<16xf32>
      %min3A_336 = arith.minimumf %mul3A_334, %mul3A_224 : vector<16xf32>
      %min3A_337 = arith.minimumf %sub3A_335, %min3A_336 : vector<16xf32>
      %max3A_338 = arith.maximumf %min3A_337, %broadcast_in_dim3A_5 : vector<16xf32>
      %min3A_339 = arith.minimumf %mul3A_333, %mul3A_208 : vector<16xf32>
      %add3A_340 = arith.addf %max3A_338, %min3A_339 : vector<16xf32>
      %mul3A_341 = arith.constant 16 : i32
      %mul3A_342 = arith.muli %scan3A_11, %mul3A_341 : i32
      %add3A_343 = arith.constant 5 : i32
      %add3A_344 = arith.addi %mul3A_342, %add3A_343 : i32
      %swap3A_345 = arith.index_cast %add3A_344 : i32 to index
      %swap3A_346 = arith.constant 0 : index
      %swap3A_347 = tpu.vector_load %arg5[%swap3A_345, %swap3A_346] {strides = array<i32>} : memref<256x16xf32, #tpu.memory_space<vmem>>, vector<16xf32>,
      tpu.vector_store %arg5[%swap3A_345, %swap3A_346], %add3A_340 {strides = array<i32>} : memref<256x16xf32, #tpu.memory_space<vmem>>, vector<16xf32>,
      %sub3A_348 = arith.subf %sub3A_331, %add3A_340 : vector<16xf32>
      %sub3A_349 = arith.subf %scan3A_17, %add3A_340 : vector<16xf32>
      %mul3A_350 = arith.mulf %get3A_75, %sub3A_348 : vector<16xf32>
      %mul3A_351 = arith.mulf %sub3A_193, %sub3A_348 : vector<16xf32>
      %sub3A_352 = arith.subf %mul3A_351, %mul3A_241 : vector<16xf32>
      %min3A_353 = arith.minimumf %mul3A_351, %mul3A_225 : vector<16xf32>
      %min3A_354 = arith.minimumf %sub3A_352, %min3A_353 : vector<16xf32>
      %max3A_355 = arith.maximumf %min3A_354, %broadcast_in_dim3A_5 : vector<16xf32>
      %min3A_356 = arith.minimumf %mul3A_350, %mul3A_209 : vector<16xf32>
      %add3A_357 = arith.addf %max3A_355, %min3A_356 : vector<16xf32>
      %mul3A_358 = arith.constant 16 : i32
      %mul3A_359 = arith.muli %scan3A_11, %mul3A_358 : i32
      %add3A_360 = arith.constant 6 : i32
      %add3A_361 = arith.addi %mul3A_359, %add3A_360 : i32
      %swap3A_362 = arith.index_cast %add3A_361 : i32 to index
      %swap3A_363 = arith.constant 0 : index
      %swap3A_364 = tpu.vector_load %arg5[%swap3A_362, %swap3A_363] {strides = array<i32>} : memref<256x16xf32, #tpu.memory_space<vmem>>, vector<16xf32>,
      tpu.vector_store %arg5[%swap3A_362, %swap3A_363], %add3A_357 {strides = array<i32>} : memref<256x16xf32, #tpu.memory_space<vmem>>, vector<16xf32>,
      %sub3A_365 = arith.subf %sub3A_348, %add3A_357 : vector<16xf32>
      %sub3A_366 = arith.subf %scan3A_18, %add3A_357 : vector<16xf32>
      %mul3A_367 = arith.mulf %get3A_82, %sub3A_365 : vector<16xf32>
      %mul3A_368 = arith.mulf %sub3A_194, %sub3A_365 : vector<16xf32>
      %sub3A_369 = arith.subf %mul3A_368, %mul3A_242 : vector<16xf32>
      %min3A_370 = arith.minimumf %mul3A_368, %mul3A_226 : vector<16xf32>
      %min3A_371 = arith.minimumf %sub3A_369, %min3A_370 : vector<16xf32>
      %max3A_372 = arith.maximumf %min3A_371, %broadcast_in_dim3A_5 : vector<16xf32>
      %min3A_373 = arith.minimumf %mul3A_367, %mul3A_210 : vector<16xf32>
      %add3A_374 = arith.addf %max3A_372, %min3A_373 : vector<16xf32>
      %mul3A_375 = arith.constant 16 : i32
      %mul3A_376 = arith.muli %scan3A_11, %mul3A_375 : i32
      %add3A_377 = arith.constant 7 : i32
      %add3A_378 = arith.addi %mul3A_376, %add3A_377 : i32
      %swap3A_379 = arith.index_cast %add3A_378 : i32 to index
      %swap3A_380 = arith.constant 0 : index
      %swap3A_381 = tpu.vector_load %arg5[%swap3A_379, %swap3A_380] {strides = array<i32>} : memref<256x16xf32, #tpu.memory_space<vmem>>, vector<16xf32>,
      tpu.vector_store %arg5[%swap3A_379, %swap3A_380], %add3A_374 {strides = array<i32>} : memref<256x16xf32, #tpu.memory_space<vmem>>, vector<16xf32>,
      %sub3A_382 = arith.subf %sub3A_365, %add3A_374 : vector<16xf32>
      %sub3A_383 = arith.subf %scan3A_19, %add3A_374 : vector<16xf32>
      %mul3A_384 = arith.mulf %get3A_89, %sub3A_382 : vector<16xf32>
      %mul3A_385 = arith.mulf %sub3A_195, %sub3A_382 : vector<16xf32>
      %sub3A_386 = arith.subf %mul3A_385, %mul3A_243 : vector<16xf32>
      %min3A_387 = arith.minimumf %mul3A_385, %mul3A_227 : vector<16xf32>
      %min3A_388 = arith.minimumf %sub3A_386, %min3A_387 : vector<16xf32>
      %max3A_389 = arith.maximumf %min3A_388, %broadcast_in_dim3A_5 : vector<16xf32>
      %min3A_390 = arith.minimumf %mul3A_384, %mul3A_211 : vector<16xf32>
      %add3A_391 = arith.addf %max3A_389, %min3A_390 : vector<16xf32>
      %mul3A_392 = arith.constant 16 : i32
      %mul3A_393 = arith.muli %scan3A_11, %mul3A_392 : i32
      %add3A_394 = arith.constant 8 : i32
      %add3A_395 = arith.addi %mul3A_393, %add3A_394 : i32
      %swap3A_396 = arith.index_cast %add3A_395 : i32 to index
      %swap3A_397 = arith.constant 0 : index
      %swap3A_398 = tpu.vector_load %arg5[%swap3A_396, %swap3A_397] {strides = array<i32>} : memref<256x16xf32, #tpu.memory_space<vmem>>, vector<16xf32>,
      tpu.vector_store %arg5[%swap3A_396, %swap3A_397], %add3A_391 {strides = array<i32>} : memref<256x16xf32, #tpu.memory_space<vmem>>, vector<16xf32>,
      %sub3A_399 = arith.subf %sub3A_382, %add3A_391 : vector<16xf32>
      %sub3A_400 = arith.subf %scan3A_20, %add3A_391 : vector<16xf32>
      %mul3A_401 = arith.mulf %get3A_96, %sub3A_399 : vector<16xf32>
      %mul3A_402 = arith.mulf %sub3A_196, %sub3A_399 : vector<16xf32>
      %sub3A_403 = arith.subf %mul3A_402, %mul3A_244 : vector<16xf32>
      %min3A_404 = arith.minimumf %mul3A_402, %mul3A_228 : vector<16xf32>
      %min3A_405 = arith.minimumf %sub3A_403, %min3A_404 : vector<16xf32>
      %max3A_406 = arith.maximumf %min3A_405, %broadcast_in_dim3A_5 : vector<16xf32>
      %min3A_407 = arith.minimumf %mul3A_401, %mul3A_212 : vector<16xf32>
      %add3A_408 = arith.addf %max3A_406, %min3A_407 : vector<16xf32>
      %mul3A_409 = arith.constant 16 : i32
      %mul3A_410 = arith.muli %scan3A_11, %mul3A_409 : i32
      %add3A_411 = arith.constant 9 : i32
      %add3A_412 = arith.addi %mul3A_410, %add3A_411 : i32
      %swap3A_413 = arith.index_cast %add3A_412 : i32 to index
      %swap3A_414 = arith.constant 0 : index
      %swap3A_415 = tpu.vector_load %arg5[%swap3A_413, %swap3A_414] {strides = array<i32>} : memref<256x16xf32, #tpu.memory_space<vmem>>, vector<16xf32>,
      tpu.vector_store %arg5[%swap3A_413, %swap3A_414], %add3A_408 {strides = array<i32>} : memref<256x16xf32, #tpu.memory_space<vmem>>, vector<16xf32>,
      %sub3A_416 = arith.subf %sub3A_399, %add3A_408 : vector<16xf32>
      %sub3A_417 = arith.subf %scan3A_21, %add3A_408 : vector<16xf32>
      %mul3A_418 = arith.mulf %get3A_103, %sub3A_416 : vector<16xf32>
      %mul3A_419 = arith.mulf %sub3A_197, %sub3A_416 : vector<16xf32>
      %sub3A_420 = arith.subf %mul3A_419, %mul3A_245 : vector<16xf32>
      %min3A_421 = arith.minimumf %mul3A_419, %mul3A_229 : vector<16xf32>
      %min3A_422 = arith.minimumf %sub3A_420, %min3A_421 : vector<16xf32>
      %max3A_423 = arith.maximumf %min3A_422, %broadcast_in_dim3A_5 : vector<16xf32>
      %min3A_424 = arith.minimumf %mul3A_418, %mul3A_213 : vector<16xf32>
      %add3A_425 = arith.addf %max3A_423, %min3A_424 : vector<16xf32>
      %mul3A_426 = arith.constant 16 : i32
      %mul3A_427 = arith.muli %scan3A_11, %mul3A_426 : i32
      %add3A_428 = arith.constant 10 : i32
      %add3A_429 = arith.addi %mul3A_427, %add3A_428 : i32
      %swap3A_430 = arith.index_cast %add3A_429 : i32 to index
      %swap3A_431 = arith.constant 0 : index
      %swap3A_432 = tpu.vector_load %arg5[%swap3A_430, %swap3A_431] {strides = array<i32>} : memref<256x16xf32, #tpu.memory_space<vmem>>, vector<16xf32>,
      tpu.vector_store %arg5[%swap3A_430, %swap3A_431], %add3A_425 {strides = array<i32>} : memref<256x16xf32, #tpu.memory_space<vmem>>, vector<16xf32>,
      %sub3A_433 = arith.subf %sub3A_416, %add3A_425 : vector<16xf32>
      %sub3A_434 = arith.subf %scan3A_22, %add3A_425 : vector<16xf32>
      %mul3A_435 = arith.mulf %get3A_110, %sub3A_433 : vector<16xf32>
      %mul3A_436 = arith.mulf %sub3A_198, %sub3A_433 : vector<16xf32>
      %sub3A_437 = arith.subf %mul3A_436, %mul3A_246 : vector<16xf32>
      %min3A_438 = arith.minimumf %mul3A_436, %mul3A_230 : vector<16xf32>
      %min3A_439 = arith.minimumf %sub3A_437, %min3A_438 : vector<16xf32>
      %max3A_440 = arith.maximumf %min3A_439, %broadcast_in_dim3A_5 : vector<16xf32>
      %min3A_441 = arith.minimumf %mul3A_435, %mul3A_214 : vector<16xf32>
      %add3A_442 = arith.addf %max3A_440, %min3A_441 : vector<16xf32>
      %mul3A_443 = arith.constant 16 : i32
      %mul3A_444 = arith.muli %scan3A_11, %mul3A_443 : i32
      %add3A_445 = arith.constant 11 : i32
      %add3A_446 = arith.addi %mul3A_444, %add3A_445 : i32
      %swap3A_447 = arith.index_cast %add3A_446 : i32 to index
      %swap3A_448 = arith.constant 0 : index
      %swap3A_449 = tpu.vector_load %arg5[%swap3A_447, %swap3A_448] {strides = array<i32>} : memref<256x16xf32, #tpu.memory_space<vmem>>, vector<16xf32>,
      tpu.vector_store %arg5[%swap3A_447, %swap3A_448], %add3A_442 {strides = array<i32>} : memref<256x16xf32, #tpu.memory_space<vmem>>, vector<16xf32>,
      %sub3A_450 = arith.subf %sub3A_433, %add3A_442 : vector<16xf32>
      %sub3A_451 = arith.subf %scan3A_23, %add3A_442 : vector<16xf32>
      %mul3A_452 = arith.mulf %get3A_117, %sub3A_450 : vector<16xf32>
      %mul3A_453 = arith.mulf %sub3A_199, %sub3A_450 : vector<16xf32>
      %sub3A_454 = arith.subf %mul3A_453, %mul3A_247 : vector<16xf32>
      %min3A_455 = arith.minimumf %mul3A_453, %mul3A_231 : vector<16xf32>
      %min3A_456 = arith.minimumf %sub3A_454, %min3A_455 : vector<16xf32>
      %max3A_457 = arith.maximumf %min3A_456, %broadcast_in_dim3A_5 : vector<16xf32>
      %min3A_458 = arith.minimumf %mul3A_452, %mul3A_215 : vector<16xf32>
      %add3A_459 = arith.addf %max3A_457, %min3A_458 : vector<16xf32>
      %mul3A_460 = arith.constant 16 : i32
      %mul3A_461 = arith.muli %scan3A_11, %mul3A_460 : i32
      %add3A_462 = arith.constant 12 : i32
      %add3A_463 = arith.addi %mul3A_461, %add3A_462 : i32
      %swap3A_464 = arith.index_cast %add3A_463 : i32 to index
      %swap3A_465 = arith.constant 0 : index
      %swap3A_466 = tpu.vector_load %arg5[%swap3A_464, %swap3A_465] {strides = array<i32>} : memref<256x16xf32, #tpu.memory_space<vmem>>, vector<16xf32>,
      tpu.vector_store %arg5[%swap3A_464, %swap3A_465], %add3A_459 {strides = array<i32>} : memref<256x16xf32, #tpu.memory_space<vmem>>, vector<16xf32>,
      %sub3A_467 = arith.subf %sub3A_450, %add3A_459 : vector<16xf32>
      %sub3A_468 = arith.subf %scan3A_24, %add3A_459 : vector<16xf32>
      %mul3A_469 = arith.mulf %get3A_124, %sub3A_467 : vector<16xf32>
      %mul3A_470 = arith.mulf %sub3A_200, %sub3A_467 : vector<16xf32>
      %sub3A_471 = arith.subf %mul3A_470, %mul3A_248 : vector<16xf32>
      %min3A_472 = arith.minimumf %mul3A_470, %mul3A_232 : vector<16xf32>
      %min3A_473 = arith.minimumf %sub3A_471, %min3A_472 : vector<16xf32>
      %max3A_474 = arith.maximumf %min3A_473, %broadcast_in_dim3A_5 : vector<16xf32>
      %min3A_475 = arith.minimumf %mul3A_469, %mul3A_216 : vector<16xf32>
      %add3A_476 = arith.addf %max3A_474, %min3A_475 : vector<16xf32>
      %mul3A_477 = arith.constant 16 : i32
      %mul3A_478 = arith.muli %scan3A_11, %mul3A_477 : i32
      %add3A_479 = arith.constant 13 : i32
      %add3A_480 = arith.addi %mul3A_478, %add3A_479 : i32
      %swap3A_481 = arith.index_cast %add3A_480 : i32 to index
      %swap3A_482 = arith.constant 0 : index
      %swap3A_483 = tpu.vector_load %arg5[%swap3A_481, %swap3A_482] {strides = array<i32>} : memref<256x16xf32, #tpu.memory_space<vmem>>, vector<16xf32>,
      tpu.vector_store %arg5[%swap3A_481, %swap3A_482], %add3A_476 {strides = array<i32>} : memref<256x16xf32, #tpu.memory_space<vmem>>, vector<16xf32>,
      %sub3A_484 = arith.subf %sub3A_467, %add3A_476 : vector<16xf32>
      %sub3A_485 = arith.subf %scan3A_25, %add3A_476 : vector<16xf32>
      %mul3A_486 = arith.mulf %get3A_131, %sub3A_484 : vector<16xf32>
      %mul3A_487 = arith.mulf %sub3A_201, %sub3A_484 : vector<16xf32>
      %sub3A_488 = arith.subf %mul3A_487, %mul3A_249 : vector<16xf32>
      %min3A_489 = arith.minimumf %mul3A_487, %mul3A_233 : vector<16xf32>
      %min3A_490 = arith.minimumf %sub3A_488, %min3A_489 : vector<16xf32>
      %max3A_491 = arith.maximumf %min3A_490, %broadcast_in_dim3A_5 : vector<16xf32>
      %min3A_492 = arith.minimumf %mul3A_486, %mul3A_217 : vector<16xf32>
      %add3A_493 = arith.addf %max3A_491, %min3A_492 : vector<16xf32>
      %mul3A_494 = arith.constant 16 : i32
      %mul3A_495 = arith.muli %scan3A_11, %mul3A_494 : i32
      %add3A_496 = arith.constant 14 : i32
      %add3A_497 = arith.addi %mul3A_495, %add3A_496 : i32
      %swap3A_498 = arith.index_cast %add3A_497 : i32 to index
      %swap3A_499 = arith.constant 0 : index
      %swap3A_500 = tpu.vector_load %arg5[%swap3A_498, %swap3A_499] {strides = array<i32>} : memref<256x16xf32, #tpu.memory_space<vmem>>, vector<16xf32>,
      tpu.vector_store %arg5[%swap3A_498, %swap3A_499], %add3A_493 {strides = array<i32>} : memref<256x16xf32, #tpu.memory_space<vmem>>, vector<16xf32>,
      %sub3A_501 = arith.subf %sub3A_484, %add3A_493 : vector<16xf32>
      %sub3A_502 = arith.subf %scan3A_26, %add3A_493 : vector<16xf32>
      %mul3A_503 = arith.mulf %get3A_138, %sub3A_501 : vector<16xf32>
      %mul3A_504 = arith.mulf %sub3A_202, %sub3A_501 : vector<16xf32>
      %sub3A_505 = arith.subf %mul3A_504, %mul3A_250 : vector<16xf32>
      %min3A_506 = arith.minimumf %mul3A_504, %mul3A_234 : vector<16xf32>
      %min3A_507 = arith.minimumf %sub3A_505, %min3A_506 : vector<16xf32>
      %max3A_508 = arith.maximumf %min3A_507, %broadcast_in_dim3A_5 : vector<16xf32>
      %min3A_509 = arith.minimumf %mul3A_503, %mul3A_218 : vector<16xf32>
      %add3A_510 = arith.addf %max3A_508, %min3A_509 : vector<16xf32>
      %mul3A_511 = arith.constant 16 : i32
      %mul3A_512 = arith.muli %scan3A_11, %mul3A_511 : i32
      %add3A_513 = arith.constant 15 : i32
      %add3A_514 = arith.addi %mul3A_512, %add3A_513 : i32
      %swap3A_515 = arith.index_cast %add3A_514 : i32 to index
      %swap3A_516 = arith.constant 0 : index
      %swap3A_517 = tpu.vector_load %arg5[%swap3A_515, %swap3A_516] {strides = array<i32>} : memref<256x16xf32, #tpu.memory_space<vmem>>, vector<16xf32>,
      tpu.vector_store %arg5[%swap3A_515, %swap3A_516], %add3A_510 {strides = array<i32>} : memref<256x16xf32, #tpu.memory_space<vmem>>, vector<16xf32>,
      %sub3A_518 = arith.subf %sub3A_501, %add3A_510 : vector<16xf32>
      %sub3A_519 = arith.subf %scan3A_27, %add3A_510 : vector<16xf32>
      %scan3A_520 = arith.constant 1 : i32
      %scan3A_521 = arith.addi %scan3A_11, %scan3A_520 : i32
      %mul3A_522 = arith.constant 16 : i32
      %mul3A_523 = arith.muli %scan3A_521, %mul3A_522 : i32
      %add3A_524 = arith.constant 0 : i32
      %add3A_525 = arith.addi %mul3A_523, %add3A_524 : i32
      %get3A_526 = arith.index_cast %add3A_525 : i32 to index
      %get3A_527 = arith.constant 0 : index
      %get3A_528 = tpu.vector_load %arg4[%get3A_526, %get3A_527] {strides = array<i32>} : memref<256x16xf32, #tpu.memory_space<vmem>>, vector<16xf32>,
      %mul3A_529 = arith.constant 16 : i32
      %mul3A_530 = arith.muli %scan3A_521, %mul3A_529 : i32
      %add3A_531 = arith.constant 1 : i32
      %add3A_532 = arith.addi %mul3A_530, %add3A_531 : i32
      %get3A_533 = arith.index_cast %add3A_532 : i32 to index
      %get3A_534 = arith.constant 0 : index
      %get3A_535 = tpu.vector_load %arg4[%get3A_533, %get3A_534] {strides = array<i32>} : memref<256x16xf32, #tpu.memory_space<vmem>>, vector<16xf32>,
      %mul3A_536 = arith.constant 16 : i32
      %mul3A_537 = arith.muli %scan3A_521, %mul3A_536 : i32
      %add3A_538 = arith.constant 2 : i32
      %add3A_539 = arith.addi %mul3A_537, %add3A_538 : i32
      %get3A_540 = arith.index_cast %add3A_539 : i32 to index
      %get3A_541 = arith.constant 0 : index
      %get3A_542 = tpu.vector_load %arg4[%get3A_540, %get3A_541] {strides = array<i32>} : memref<256x16xf32, #tpu.memory_space<vmem>>, vector<16xf32>,
      %mul3A_543 = arith.constant 16 : i32
      %mul3A_544 = arith.muli %scan3A_521, %mul3A_543 : i32
      %add3A_545 = arith.constant 3 : i32
      %add3A_546 = arith.addi %mul3A_544, %add3A_545 : i32
      %get3A_547 = arith.index_cast %add3A_546 : i32 to index
      %get3A_548 = arith.constant 0 : index
      %get3A_549 = tpu.vector_load %arg4[%get3A_547, %get3A_548] {strides = array<i32>} : memref<256x16xf32, #tpu.memory_space<vmem>>, vector<16xf32>,
      %mul3A_550 = arith.constant 16 : i32
      %mul3A_551 = arith.muli %scan3A_521, %mul3A_550 : i32
      %add3A_552 = arith.constant 4 : i32
      %add3A_553 = arith.addi %mul3A_551, %add3A_552 : i32
      %get3A_554 = arith.index_cast %add3A_553 : i32 to index
      %get3A_555 = arith.constant 0 : index
      %get3A_556 = tpu.vector_load %arg4[%get3A_554, %get3A_555] {strides = array<i32>} : memref<256x16xf32, #tpu.memory_space<vmem>>, vector<16xf32>,
      %mul3A_557 = arith.constant 16 : i32
      %mul3A_558 = arith.muli %scan3A_521, %mul3A_557 : i32
      %add3A_559 = arith.constant 5 : i32
      %add3A_560 = arith.addi %mul3A_558, %add3A_559 : i32
      %get3A_561 = arith.index_cast %add3A_560 : i32 to index
      %get3A_562 = arith.constant 0 : index
      %get3A_563 = tpu.vector_load %arg4[%get3A_561, %get3A_562] {strides = array<i32>} : memref<256x16xf32, #tpu.memory_space<vmem>>, vector<16xf32>,
      %mul3A_564 = arith.constant 16 : i32
      %mul3A_565 = arith.muli %scan3A_521, %mul3A_564 : i32
      %add3A_566 = arith.constant 6 : i32
      %add3A_567 = arith.addi %mul3A_565, %add3A_566 : i32
      %get3A_568 = arith.index_cast %add3A_567 : i32 to index
      %get3A_569 = arith.constant 0 : index
      %get3A_570 = tpu.vector_load %arg4[%get3A_568, %get3A_569] {strides = array<i32>} : memref<256x16xf32, #tpu.memory_space<vmem>>, vector<16xf32>,
      %mul3A_571 = arith.constant 16 : i32
      %mul3A_572 = arith.muli %scan3A_521, %mul3A_571 : i32
      %add3A_573 = arith.constant 7 : i32
      %add3A_574 = arith.addi %mul3A_572, %add3A_573 : i32
      %get3A_575 = arith.index_cast %add3A_574 : i32 to index
      %get3A_576 = arith.constant 0 : index
      %get3A_577 = tpu.vector_load %arg4[%get3A_575, %get3A_576] {strides = array<i32>} : memref<256x16xf32, #tpu.memory_space<vmem>>, vector<16xf32>,
      %mul3A_578 = arith.constant 16 : i32
      %mul3A_579 = arith.muli %scan3A_521, %mul3A_578 : i32
      %add3A_580 = arith.constant 8 : i32
      %add3A_581 = arith.addi %mul3A_579, %add3A_580 : i32
      %get3A_582 = arith.index_cast %add3A_581 : i32 to index
      %get3A_583 = arith.constant 0 : index
      %get3A_584 = tpu.vector_load %arg4[%get3A_582, %get3A_583] {strides = array<i32>} : memref<256x16xf32, #tpu.memory_space<vmem>>, vector<16xf32>,
      %mul3A_585 = arith.constant 16 : i32
      %mul3A_586 = arith.muli %scan3A_521, %mul3A_585 : i32
      %add3A_587 = arith.constant 9 : i32
      %add3A_588 = arith.addi %mul3A_586, %add3A_587 : i32
      %get3A_589 = arith.index_cast %add3A_588 : i32 to index
      %get3A_590 = arith.constant 0 : index
      %get3A_591 = tpu.vector_load %arg4[%get3A_589, %get3A_590] {strides = array<i32>} : memref<256x16xf32, #tpu.memory_space<vmem>>, vector<16xf32>,
      %mul3A_592 = arith.constant 16 : i32
      %mul3A_593 = arith.muli %scan3A_521, %mul3A_592 : i32
      %add3A_594 = arith.constant 10 : i32
      %add3A_595 = arith.addi %mul3A_593, %add3A_594 : i32
      %get3A_596 = arith.index_cast %add3A_595 : i32 to index
      %get3A_597 = arith.constant 0 : index
      %get3A_598 = tpu.vector_load %arg4[%get3A_596, %get3A_597] {strides = array<i32>} : memref<256x16xf32, #tpu.memory_space<vmem>>, vector<16xf32>,
      %mul3A_599 = arith.constant 16 : i32
      %mul3A_600 = arith.muli %scan3A_521, %mul3A_599 : i32
      %add3A_601 = arith.constant 11 : i32
      %add3A_602 = arith.addi %mul3A_600, %add3A_601 : i32
      %get3A_603 = arith.index_cast %add3A_602 : i32 to index
      %get3A_604 = arith.constant 0 : index
      %get3A_605 = tpu.vector_load %arg4[%get3A_603, %get3A_604] {strides = array<i32>} : memref<256x16xf32, #tpu.memory_space<vmem>>, vector<16xf32>,
      %mul3A_606 = arith.constant 16 : i32
      %mul3A_607 = arith.muli %scan3A_521, %mul3A_606 : i32
      %add3A_608 = arith.constant 12 : i32
      %add3A_609 = arith.addi %mul3A_607, %add3A_608 : i32
      %get3A_610 = arith.index_cast %add3A_609 : i32 to index
      %get3A_611 = arith.constant 0 : index
      %get3A_612 = tpu.vector_load %arg4[%get3A_610, %get3A_611] {strides = array<i32>} : memref<256x16xf32, #tpu.memory_space<vmem>>, vector<16xf32>,
      %mul3A_613 = arith.constant 16 : i32
      %mul3A_614 = arith.muli %scan3A_521, %mul3A_613 : i32
      %add3A_615 = arith.constant 13 : i32
      %add3A_616 = arith.addi %mul3A_614, %add3A_615 : i32
      %get3A_617 = arith.index_cast %add3A_616 : i32 to index
      %get3A_618 = arith.constant 0 : index
      %get3A_619 = tpu.vector_load %arg4[%get3A_617, %get3A_618] {strides = array<i32>} : memref<256x16xf32, #tpu.memory_space<vmem>>, vector<16xf32>,
      %mul3A_620 = arith.constant 16 : i32
      %mul3A_621 = arith.muli %scan3A_521, %mul3A_620 : i32
      %add3A_622 = arith.constant 14 : i32
      %add3A_623 = arith.addi %mul3A_621, %add3A_622 : i32
      %get3A_624 = arith.index_cast %add3A_623 : i32 to index
      %get3A_625 = arith.constant 0 : index
      %get3A_626 = tpu.vector_load %arg4[%get3A_624, %get3A_625] {strides = array<i32>} : memref<256x16xf32, #tpu.memory_space<vmem>>, vector<16xf32>,
      %mul3A_627 = arith.constant 16 : i32
      %mul3A_628 = arith.muli %scan3A_521, %mul3A_627 : i32
      %add3A_629 = arith.constant 15 : i32
      %add3A_630 = arith.addi %mul3A_628, %add3A_629 : i32
      %get3A_631 = arith.index_cast %add3A_630 : i32 to index
      %get3A_632 = arith.constant 0 : index
      %get3A_633 = tpu.vector_load %arg4[%get3A_631, %get3A_632] {strides = array<i32>} : memref<256x16xf32, #tpu.memory_space<vmem>>, vector<16xf32>,
      %add3A_634 = arith.addf %sub3A_281, %sub3A_298 : vector<16xf32>
      %add3A_635 = arith.addf %sub3A_298, %sub3A_315 : vector<16xf32>
      %add3A_636 = arith.addf %sub3A_315, %sub3A_332 : vector<16xf32>
      %add3A_637 = arith.addf %sub3A_332, %sub3A_349 : vector<16xf32>
      %add3A_638 = arith.addf %sub3A_349, %sub3A_366 : vector<16xf32>
      %add3A_639 = arith.addf %sub3A_366, %sub3A_383 : vector<16xf32>
      %add3A_640 = arith.addf %sub3A_383, %sub3A_400 : vector<16xf32>
      %add3A_641 = arith.addf %sub3A_400, %sub3A_417 : vector<16xf32>
      %add3A_642 = arith.addf %sub3A_417, %sub3A_434 : vector<16xf32>
      %add3A_643 = arith.addf %sub3A_434, %sub3A_451 : vector<16xf32>
      %add3A_644 = arith.addf %sub3A_451, %sub3A_468 : vector<16xf32>
      %add3A_645 = arith.addf %sub3A_468, %sub3A_485 : vector<16xf32>
      %add3A_646 = arith.addf %sub3A_485, %sub3A_502 : vector<16xf32>
      %add3A_647 = arith.addf %sub3A_502, %sub3A_519 : vector<16xf32>
      %add3A_648 = arith.addf %sub3A_519, %broadcast_in_dim3A_5 : vector<16xf32>
      %add3A_649 = arith.addf %add3A_634, %add3A_636 : vector<16xf32>
      %add3A_650 = arith.addf %add3A_635, %add3A_637 : vector<16xf32>
      %add3A_651 = arith.addf %add3A_636, %add3A_638 : vector<16xf32>
      %add3A_652 = arith.addf %add3A_637, %add3A_639 : vector<16xf32>
      %add3A_653 = arith.addf %add3A_638, %add3A_640 : vector<16xf32>
      %add3A_654 = arith.addf %add3A_639, %add3A_641 : vector<16xf32>
      %add3A_655 = arith.addf %add3A_640, %add3A_642 : vector<16xf32>
      %add3A_656 = arith.addf %add3A_641, %add3A_643 : vector<16xf32>
      %add3A_657 = arith.addf %add3A_642, %add3A_644 : vector<16xf32>
      %add3A_658 = arith.addf %add3A_643, %add3A_645 : vector<16xf32>
      %add3A_659 = arith.addf %add3A_644, %add3A_646 : vector<16xf32>
      %add3A_660 = arith.addf %add3A_645, %add3A_647 : vector<16xf32>
      %add3A_661 = arith.addf %add3A_646, %add3A_648 : vector<16xf32>
      %add3A_662 = arith.addf %add3A_647, %broadcast_in_dim3A_5 : vector<16xf32>
      %add3A_663 = arith.addf %add3A_649, %add3A_653 : vector<16xf32>
      %add3A_664 = arith.addf %add3A_650, %add3A_654 : vector<16xf32>
      %add3A_665 = arith.addf %add3A_651, %add3A_655 : vector<16xf32>
      %add3A_666 = arith.addf %add3A_652, %add3A_656 : vector<16xf32>
      %add3A_667 = arith.addf %add3A_653, %add3A_657 : vector<16xf32>
      %add3A_668 = arith.addf %add3A_654, %add3A_658 : vector<16xf32>
      %add3A_669 = arith.addf %add3A_655, %add3A_659 : vector<16xf32>
      %add3A_670 = arith.addf %add3A_656, %add3A_660 : vector<16xf32>
      %add3A_671 = arith.addf %add3A_657, %add3A_661 : vector<16xf32>
      %add3A_672 = arith.addf %add3A_658, %add3A_662 : vector<16xf32>
      %add3A_673 = arith.addf %add3A_659, %add3A_648 : vector<16xf32>
      %add3A_674 = arith.addf %add3A_660, %broadcast_in_dim3A_5 : vector<16xf32>
      %add3A_675 = arith.addf %add3A_663, %add3A_671 : vector<16xf32>
      %add3A_676 = arith.addf %add3A_664, %add3A_672 : vector<16xf32>
      %add3A_677 = arith.addf %add3A_665, %add3A_673 : vector<16xf32>
      %add3A_678 = arith.addf %add3A_666, %add3A_674 : vector<16xf32>
      %add3A_679 = arith.addf %add3A_667, %add3A_661 : vector<16xf32>
      %add3A_680 = arith.addf %add3A_668, %add3A_662 : vector<16xf32>
      %add3A_681 = arith.addf %add3A_669, %add3A_648 : vector<16xf32>
      %add3A_682 = arith.addf %add3A_670, %broadcast_in_dim3A_5 : vector<16xf32>
      %sub3A_683 = arith.subf %broadcast_in_dim3A_3, %get3A_528 : vector<16xf32>
      %sub3A_684 = arith.subf %broadcast_in_dim3A_3, %get3A_535 : vector<16xf32>
      %sub3A_685 = arith.subf %broadcast_in_dim3A_3, %get3A_542 : vector<16xf32>
      %sub3A_686 = arith.subf %broadcast_in_dim3A_3, %get3A_549 : vector<16xf32>
      %sub3A_687 = arith.subf %broadcast_in_dim3A_3, %get3A_556 : vector<16xf32>
      %sub3A_688 = arith.subf %broadcast_in_dim3A_3, %get3A_563 : vector<16xf32>
      %sub3A_689 = arith.subf %broadcast_in_dim3A_3, %get3A_570 : vector<16xf32>
      %sub3A_690 = arith.subf %broadcast_in_dim3A_3, %get3A_577 : vector<16xf32>
      %sub3A_691 = arith.subf %broadcast_in_dim3A_3, %get3A_584 : vector<16xf32>
      %sub3A_692 = arith.subf %broadcast_in_dim3A_3, %get3A_591 : vector<16xf32>
      %sub3A_693 = arith.subf %broadcast_in_dim3A_3, %get3A_598 : vector<16xf32>
      %sub3A_694 = arith.subf %broadcast_in_dim3A_3, %get3A_605 : vector<16xf32>
      %sub3A_695 = arith.subf %broadcast_in_dim3A_3, %get3A_612 : vector<16xf32>
      %sub3A_696 = arith.subf %broadcast_in_dim3A_3, %get3A_619 : vector<16xf32>
      %sub3A_697 = arith.subf %broadcast_in_dim3A_3, %get3A_626 : vector<16xf32>
      %sub3A_698 = arith.subf %broadcast_in_dim3A_3, %get3A_633 : vector<16xf32>
      %mul3A_699 = arith.mulf %get3A_528, %sub3A_264 : vector<16xf32>
      %mul3A_700 = arith.mulf %get3A_535, %sub3A_281 : vector<16xf32>
      %mul3A_701 = arith.mulf %get3A_542, %sub3A_298 : vector<16xf32>
      %mul3A_702 = arith.mulf %get3A_549, %sub3A_315 : vector<16xf32>
      %mul3A_703 = arith.mulf %get3A_556, %sub3A_332 : vector<16xf32>
      %mul3A_704 = arith.mulf %get3A_563, %sub3A_349 : vector<16xf32>
      %mul3A_705 = arith.mulf %get3A_570, %sub3A_366 : vector<16xf32>
      %mul3A_706 = arith.mulf %get3A_577, %sub3A_383 : vector<16xf32>
      %mul3A_707 = arith.mulf %get3A_584, %sub3A_400 : vector<16xf32>
      %mul3A_708 = arith.mulf %get3A_591, %sub3A_417 : vector<16xf32>
      %mul3A_709 = arith.mulf %get3A_598, %sub3A_434 : vector<16xf32>
      %mul3A_710 = arith.mulf %get3A_605, %sub3A_451 : vector<16xf32>
      %mul3A_711 = arith.mulf %get3A_612, %sub3A_468 : vector<16xf32>
      %mul3A_712 = arith.mulf %get3A_619, %sub3A_485 : vector<16xf32>
      %mul3A_713 = arith.mulf %get3A_626, %sub3A_502 : vector<16xf32>
      %mul3A_714 = arith.mulf %get3A_633, %sub3A_519 : vector<16xf32>
      %mul3A_715 = arith.mulf %sub3A_683, %sub3A_264 : vector<16xf32>
      %mul3A_716 = arith.mulf %sub3A_684, %sub3A_281 : vector<16xf32>
      %mul3A_717 = arith.mulf %sub3A_685, %sub3A_298 : vector<16xf32>
      %mul3A_718 = arith.mulf %sub3A_686, %sub3A_315 : vector<16xf32>
      %mul3A_719 = arith.mulf %sub3A_687, %sub3A_332 : vector<16xf32>
      %mul3A_720 = arith.mulf %sub3A_688, %sub3A_349 : vector<16xf32>
      %mul3A_721 = arith.mulf %sub3A_689, %sub3A_366 : vector<16xf32>
      %mul3A_722 = arith.mulf %sub3A_690, %sub3A_383 : vector<16xf32>
      %mul3A_723 = arith.mulf %sub3A_691, %sub3A_400 : vector<16xf32>
      %mul3A_724 = arith.mulf %sub3A_692, %sub3A_417 : vector<16xf32>
      %mul3A_725 = arith.mulf %sub3A_693, %sub3A_434 : vector<16xf32>
      %mul3A_726 = arith.mulf %sub3A_694, %sub3A_451 : vector<16xf32>
      %mul3A_727 = arith.mulf %sub3A_695, %sub3A_468 : vector<16xf32>
      %mul3A_728 = arith.mulf %sub3A_696, %sub3A_485 : vector<16xf32>
      %mul3A_729 = arith.mulf %sub3A_697, %sub3A_502 : vector<16xf32>
      %mul3A_730 = arith.mulf %sub3A_698, %sub3A_519 : vector<16xf32>
      %mul3A_731 = arith.mulf %sub3A_683, %add3A_675 : vector<16xf32>
      %mul3A_732 = arith.mulf %sub3A_684, %add3A_676 : vector<16xf32>
      %mul3A_733 = arith.mulf %sub3A_685, %add3A_677 : vector<16xf32>
      %mul3A_734 = arith.mulf %sub3A_686, %add3A_678 : vector<16xf32>
      %mul3A_735 = arith.mulf %sub3A_687, %add3A_679 : vector<16xf32>
      %mul3A_736 = arith.mulf %sub3A_688, %add3A_680 : vector<16xf32>
      %mul3A_737 = arith.mulf %sub3A_689, %add3A_681 : vector<16xf32>
      %mul3A_738 = arith.mulf %sub3A_690, %add3A_682 : vector<16xf32>
      %mul3A_739 = arith.mulf %sub3A_691, %add3A_671 : vector<16xf32>
      %mul3A_740 = arith.mulf %sub3A_692, %add3A_672 : vector<16xf32>
      %mul3A_741 = arith.mulf %sub3A_693, %add3A_673 : vector<16xf32>
      %mul3A_742 = arith.mulf %sub3A_694, %add3A_674 : vector<16xf32>
      %mul3A_743 = arith.mulf %sub3A_695, %add3A_661 : vector<16xf32>
      %mul3A_744 = arith.mulf %sub3A_696, %add3A_662 : vector<16xf32>
      %mul3A_745 = arith.mulf %sub3A_697, %add3A_648 : vector<16xf32>
      %mul3A_746 = arith.mulf %sub3A_698, %broadcast_in_dim3A_5 : vector<16xf32>
      %mul3A_747 = arith.mulf %get3A_528, %broadcast_in_dim3A_3 : vector<16xf32>
      %mul3A_748 = arith.mulf %sub3A_683, %broadcast_in_dim3A_3 : vector<16xf32>
      %sub3A_749 = arith.subf %mul3A_748, %mul3A_731 : vector<16xf32>
      %min3A_750 = arith.minimumf %mul3A_748, %mul3A_715 : vector<16xf32>
      %min3A_751 = arith.minimumf %sub3A_749, %min3A_750 : vector<16xf32>
      %max3A_752 = arith.maximumf %min3A_751, %broadcast_in_dim3A_5 : vector<16xf32>
      %min3A_753 = arith.minimumf %mul3A_747, %mul3A_699 : vector<16xf32>
      %add3A_754 = arith.addf %max3A_752, %min3A_753 : vector<16xf32>
      %mul3A_755 = arith.constant 16 : i32
      %mul3A_756 = arith.muli %scan3A_521, %mul3A_755 : i32
      %add3A_757 = arith.constant 0 : i32
      %add3A_758 = arith.addi %mul3A_756, %add3A_757 : i32
      %swap3A_759 = arith.index_cast %add3A_758 : i32 to index
      %swap3A_760 = arith.constant 0 : index
      %swap3A_761 = tpu.vector_load %arg5[%swap3A_759, %swap3A_760] {strides = array<i32>} : memref<256x16xf32, #tpu.memory_space<vmem>>, vector<16xf32>,
      tpu.vector_store %arg5[%swap3A_759, %swap3A_760], %add3A_754 {strides = array<i32>} : memref<256x16xf32, #tpu.memory_space<vmem>>, vector<16xf32>,
      %sub3A_762 = arith.subf %broadcast_in_dim3A_3, %add3A_754 : vector<16xf32>
      %sub3A_763 = arith.subf %sub3A_264, %add3A_754 : vector<16xf32>
      %mul3A_764 = arith.mulf %get3A_535, %sub3A_762 : vector<16xf32>
      %mul3A_765 = arith.mulf %sub3A_684, %sub3A_762 : vector<16xf32>
      %sub3A_766 = arith.subf %mul3A_765, %mul3A_732 : vector<16xf32>
      %min3A_767 = arith.minimumf %mul3A_765, %mul3A_716 : vector<16xf32>
      %min3A_768 = arith.minimumf %sub3A_766, %min3A_767 : vector<16xf32>
      %max3A_769 = arith.maximumf %min3A_768, %broadcast_in_dim3A_5 : vector<16xf32>
      %min3A_770 = arith.minimumf %mul3A_764, %mul3A_700 : vector<16xf32>
      %add3A_771 = arith.addf %max3A_769, %min3A_770 : vector<16xf32>
      %mul3A_772 = arith.constant 16 : i32
      %mul3A_773 = arith.muli %scan3A_521, %mul3A_772 : i32
      %add3A_774 = arith.constant 1 : i32
      %add3A_775 = arith.addi %mul3A_773, %add3A_774 : i32
      %swap3A_776 = arith.index_cast %add3A_775 : i32 to index
      %swap3A_777 = arith.constant 0 : index
      %swap3A_778 = tpu.vector_load %arg5[%swap3A_776, %swap3A_777] {strides = array<i32>} : memref<256x16xf32, #tpu.memory_space<vmem>>, vector<16xf32>,
      tpu.vector_store %arg5[%swap3A_776, %swap3A_777], %add3A_771 {strides = array<i32>} : memref<256x16xf32, #tpu.memory_space<vmem>>, vector<16xf32>,
      %sub3A_779 = arith.subf %sub3A_762, %add3A_771 : vector<16xf32>
      %sub3A_780 = arith.subf %sub3A_281, %add3A_771 : vector<16xf32>
      %mul3A_781 = arith.mulf %get3A_542, %sub3A_779 : vector<16xf32>
      %mul3A_782 = arith.mulf %sub3A_685, %sub3A_779 : vector<16xf32>
      %sub3A_783 = arith.subf %mul3A_782, %mul3A_733 : vector<16xf32>
      %min3A_784 = arith.minimumf %mul3A_782, %mul3A_717 : vector<16xf32>
      %min3A_785 = arith.minimumf %sub3A_783, %min3A_784 : vector<16xf32>
      %max3A_786 = arith.maximumf %min3A_785, %broadcast_in_dim3A_5 : vector<16xf32>
      %min3A_787 = arith.minimumf %mul3A_781, %mul3A_701 : vector<16xf32>
      %add3A_788 = arith.addf %max3A_786, %min3A_787 : vector<16xf32>
      %mul3A_789 = arith.constant 16 : i32
      %mul3A_790 = arith.muli %scan3A_521, %mul3A_789 : i32
      %add3A_791 = arith.constant 2 : i32
      %add3A_792 = arith.addi %mul3A_790, %add3A_791 : i32
      %swap3A_793 = arith.index_cast %add3A_792 : i32 to index
      %swap3A_794 = arith.constant 0 : index
      %swap3A_795 = tpu.vector_load %arg5[%swap3A_793, %swap3A_794] {strides = array<i32>} : memref<256x16xf32, #tpu.memory_space<vmem>>, vector<16xf32>,
      tpu.vector_store %arg5[%swap3A_793, %swap3A_794], %add3A_788 {strides = array<i32>} : memref<256x16xf32, #tpu.memory_space<vmem>>, vector<16xf32>,
      %sub3A_796 = arith.subf %sub3A_779, %add3A_788 : vector<16xf32>
      %sub3A_797 = arith.subf %sub3A_298, %add3A_788 : vector<16xf32>
      %mul3A_798 = arith.mulf %get3A_549, %sub3A_796 : vector<16xf32>
      %mul3A_799 = arith.mulf %sub3A_686, %sub3A_796 : vector<16xf32>
      %sub3A_800 = arith.subf %mul3A_799, %mul3A_734 : vector<16xf32>
      %min3A_801 = arith.minimumf %mul3A_799, %mul3A_718 : vector<16xf32>
      %min3A_802 = arith.minimumf %sub3A_800, %min3A_801 : vector<16xf32>
      %max3A_803 = arith.maximumf %min3A_802, %broadcast_in_dim3A_5 : vector<16xf32>
      %min3A_804 = arith.minimumf %mul3A_798, %mul3A_702 : vector<16xf32>
      %add3A_805 = arith.addf %max3A_803, %min3A_804 : vector<16xf32>
      %mul3A_806 = arith.constant 16 : i32
      %mul3A_807 = arith.muli %scan3A_521, %mul3A_806 : i32
      %add3A_808 = arith.constant 3 : i32
      %add3A_809 = arith.addi %mul3A_807, %add3A_808 : i32
      %swap3A_810 = arith.index_cast %add3A_809 : i32 to index
      %swap3A_811 = arith.constant 0 : index
      %swap3A_812 = tpu.vector_load %arg5[%swap3A_810, %swap3A_811] {strides = array<i32>} : memref<256x16xf32, #tpu.memory_space<vmem>>, vector<16xf32>,
      tpu.vector_store %arg5[%swap3A_810, %swap3A_811], %add3A_805 {strides = array<i32>} : memref<256x16xf32, #tpu.memory_space<vmem>>, vector<16xf32>,
      %sub3A_813 = arith.subf %sub3A_796, %add3A_805 : vector<16xf32>
      %sub3A_814 = arith.subf %sub3A_315, %add3A_805 : vector<16xf32>
      %mul3A_815 = arith.mulf %get3A_556, %sub3A_813 : vector<16xf32>
      %mul3A_816 = arith.mulf %sub3A_687, %sub3A_813 : vector<16xf32>
      %sub3A_817 = arith.subf %mul3A_816, %mul3A_735 : vector<16xf32>
      %min3A_818 = arith.minimumf %mul3A_816, %mul3A_719 : vector<16xf32>
      %min3A_819 = arith.minimumf %sub3A_817, %min3A_818 : vector<16xf32>
      %max3A_820 = arith.maximumf %min3A_819, %broadcast_in_dim3A_5 : vector<16xf32>
      %min3A_821 = arith.minimumf %mul3A_815, %mul3A_703 : vector<16xf32>
      %add3A_822 = arith.addf %max3A_820, %min3A_821 : vector<16xf32>
      %mul3A_823 = arith.constant 16 : i32
      %mul3A_824 = arith.muli %scan3A_521, %mul3A_823 : i32
      %add3A_825 = arith.constant 4 : i32
      %add3A_826 = arith.addi %mul3A_824, %add3A_825 : i32
      %swap3A_827 = arith.index_cast %add3A_826 : i32 to index
      %swap3A_828 = arith.constant 0 : index
      %swap3A_829 = tpu.vector_load %arg5[%swap3A_827, %swap3A_828] {strides = array<i32>} : memref<256x16xf32, #tpu.memory_space<vmem>>, vector<16xf32>,
      tpu.vector_store %arg5[%swap3A_827, %swap3A_828], %add3A_822 {strides = array<i32>} : memref<256x16xf32, #tpu.memory_space<vmem>>, vector<16xf32>,
      %sub3A_830 = arith.subf %sub3A_813, %add3A_822 : vector<16xf32>
      %sub3A_831 = arith.subf %sub3A_332, %add3A_822 : vector<16xf32>
      %mul3A_832 = arith.mulf %get3A_563, %sub3A_830 : vector<16xf32>
      %mul3A_833 = arith.mulf %sub3A_688, %sub3A_830 : vector<16xf32>
      %sub3A_834 = arith.subf %mul3A_833, %mul3A_736 : vector<16xf32>
      %min3A_835 = arith.minimumf %mul3A_833, %mul3A_720 : vector<16xf32>
      %min3A_836 = arith.minimumf %sub3A_834, %min3A_835 : vector<16xf32>
      %max3A_837 = arith.maximumf %min3A_836, %broadcast_in_dim3A_5 : vector<16xf32>
      %min3A_838 = arith.minimumf %mul3A_832, %mul3A_704 : vector<16xf32>
      %add3A_839 = arith.addf %max3A_837, %min3A_838 : vector<16xf32>
      %mul3A_840 = arith.constant 16 : i32
      %mul3A_841 = arith.muli %scan3A_521, %mul3A_840 : i32
      %add3A_842 = arith.constant 5 : i32
      %add3A_843 = arith.addi %mul3A_841, %add3A_842 : i32
      %swap3A_844 = arith.index_cast %add3A_843 : i32 to index
      %swap3A_845 = arith.constant 0 : index
      %swap3A_846 = tpu.vector_load %arg5[%swap3A_844, %swap3A_845] {strides = array<i32>} : memref<256x16xf32, #tpu.memory_space<vmem>>, vector<16xf32>,
      tpu.vector_store %arg5[%swap3A_844, %swap3A_845], %add3A_839 {strides = array<i32>} : memref<256x16xf32, #tpu.memory_space<vmem>>, vector<16xf32>,
      %sub3A_847 = arith.subf %sub3A_830, %add3A_839 : vector<16xf32>
      %sub3A_848 = arith.subf %sub3A_349, %add3A_839 : vector<16xf32>
      %mul3A_849 = arith.mulf %get3A_570, %sub3A_847 : vector<16xf32>
      %mul3A_850 = arith.mulf %sub3A_689, %sub3A_847 : vector<16xf32>
      %sub3A_851 = arith.subf %mul3A_850, %mul3A_737 : vector<16xf32>
      %min3A_852 = arith.minimumf %mul3A_850, %mul3A_721 : vector<16xf32>
      %min3A_853 = arith.minimumf %sub3A_851, %min3A_852 : vector<16xf32>
      %max3A_854 = arith.maximumf %min3A_853, %broadcast_in_dim3A_5 : vector<16xf32>
      %min3A_855 = arith.minimumf %mul3A_849, %mul3A_705 : vector<16xf32>
      %add3A_856 = arith.addf %max3A_854, %min3A_855 : vector<16xf32>
      %mul3A_857 = arith.constant 16 : i32
      %mul3A_858 = arith.muli %scan3A_521, %mul3A_857 : i32
      %add3A_859 = arith.constant 6 : i32
      %add3A_860 = arith.addi %mul3A_858, %add3A_859 : i32
      %swap3A_861 = arith.index_cast %add3A_860 : i32 to index
      %swap3A_862 = arith.constant 0 : index
      %swap3A_863 = tpu.vector_load %arg5[%swap3A_861, %swap3A_862] {strides = array<i32>} : memref<256x16xf32, #tpu.memory_space<vmem>>, vector<16xf32>,
      tpu.vector_store %arg5[%swap3A_861, %swap3A_862], %add3A_856 {strides = array<i32>} : memref<256x16xf32, #tpu.memory_space<vmem>>, vector<16xf32>,
      %sub3A_864 = arith.subf %sub3A_847, %add3A_856 : vector<16xf32>
      %sub3A_865 = arith.subf %sub3A_366, %add3A_856 : vector<16xf32>
      %mul3A_866 = arith.mulf %get3A_577, %sub3A_864 : vector<16xf32>
      %mul3A_867 = arith.mulf %sub3A_690, %sub3A_864 : vector<16xf32>
      %sub3A_868 = arith.subf %mul3A_867, %mul3A_738 : vector<16xf32>
      %min3A_869 = arith.minimumf %mul3A_867, %mul3A_722 : vector<16xf32>
      %min3A_870 = arith.minimumf %sub3A_868, %min3A_869 : vector<16xf32>
      %max3A_871 = arith.maximumf %min3A_870, %broadcast_in_dim3A_5 : vector<16xf32>
      %min3A_872 = arith.minimumf %mul3A_866, %mul3A_706 : vector<16xf32>
      %add3A_873 = arith.addf %max3A_871, %min3A_872 : vector<16xf32>
      %mul3A_874 = arith.constant 16 : i32
      %mul3A_875 = arith.muli %scan3A_521, %mul3A_874 : i32
      %add3A_876 = arith.constant 7 : i32
      %add3A_877 = arith.addi %mul3A_875, %add3A_876 : i32
      %swap3A_878 = arith.index_cast %add3A_877 : i32 to index
      %swap3A_879 = arith.constant 0 : index
      %swap3A_880 = tpu.vector_load %arg5[%swap3A_878, %swap3A_879] {strides = array<i32>} : memref<256x16xf32, #tpu.memory_space<vmem>>, vector<16xf32>,
      tpu.vector_store %arg5[%swap3A_878, %swap3A_879], %add3A_873 {strides = array<i32>} : memref<256x16xf32, #tpu.memory_space<vmem>>, vector<16xf32>,
      %sub3A_881 = arith.subf %sub3A_864, %add3A_873 : vector<16xf32>
      %sub3A_882 = arith.subf %sub3A_383, %add3A_873 : vector<16xf32>
      %mul3A_883 = arith.mulf %get3A_584, %sub3A_881 : vector<16xf32>
      %mul3A_884 = arith.mulf %sub3A_691, %sub3A_881 : vector<16xf32>
      %sub3A_885 = arith.subf %mul3A_884, %mul3A_739 : vector<16xf32>
      %min3A_886 = arith.minimumf %mul3A_884, %mul3A_723 : vector<16xf32>
      %min3A_887 = arith.minimumf %sub3A_885, %min3A_886 : vector<16xf32>
      %max3A_888 = arith.maximumf %min3A_887, %broadcast_in_dim3A_5 : vector<16xf32>
      %min3A_889 = arith.minimumf %mul3A_883, %mul3A_707 : vector<16xf32>
      %add3A_890 = arith.addf %max3A_888, %min3A_889 : vector<16xf32>
      %mul3A_891 = arith.constant 16 : i32
      %mul3A_892 = arith.muli %scan3A_521, %mul3A_891 : i32
      %add3A_893 = arith.constant 8 : i32
      %add3A_894 = arith.addi %mul3A_892, %add3A_893 : i32
      %swap3A_895 = arith.index_cast %add3A_894 : i32 to index
      %swap3A_896 = arith.constant 0 : index
      %swap3A_897 = tpu.vector_load %arg5[%swap3A_895, %swap3A_896] {strides = array<i32>} : memref<256x16xf32, #tpu.memory_space<vmem>>, vector<16xf32>,
      tpu.vector_store %arg5[%swap3A_895, %swap3A_896], %add3A_890 {strides = array<i32>} : memref<256x16xf32, #tpu.memory_space<vmem>>, vector<16xf32>,
      %sub3A_898 = arith.subf %sub3A_881, %add3A_890 : vector<16xf32>
      %sub3A_899 = arith.subf %sub3A_400, %add3A_890 : vector<16xf32>
      %mul3A_900 = arith.mulf %get3A_591, %sub3A_898 : vector<16xf32>
      %mul3A_901 = arith.mulf %sub3A_692, %sub3A_898 : vector<16xf32>
      %sub3A_902 = arith.subf %mul3A_901, %mul3A_740 : vector<16xf32>
      %min3A_903 = arith.minimumf %mul3A_901, %mul3A_724 : vector<16xf32>
      %min3A_904 = arith.minimumf %sub3A_902, %min3A_903 : vector<16xf32>
      %max3A_905 = arith.maximumf %min3A_904, %broadcast_in_dim3A_5 : vector<16xf32>
      %min3A_906 = arith.minimumf %mul3A_900, %mul3A_708 : vector<16xf32>
      %add3A_907 = arith.addf %max3A_905, %min3A_906 : vector<16xf32>
      %mul3A_908 = arith.constant 16 : i32
      %mul3A_909 = arith.muli %scan3A_521, %mul3A_908 : i32
      %add3A_910 = arith.constant 9 : i32
      %add3A_911 = arith.addi %mul3A_909, %add3A_910 : i32
      %swap3A_912 = arith.index_cast %add3A_911 : i32 to index
      %swap3A_913 = arith.constant 0 : index
      %swap3A_914 = tpu.vector_load %arg5[%swap3A_912, %swap3A_913] {strides = array<i32>} : memref<256x16xf32, #tpu.memory_space<vmem>>, vector<16xf32>,
      tpu.vector_store %arg5[%swap3A_912, %swap3A_913], %add3A_907 {strides = array<i32>} : memref<256x16xf32, #tpu.memory_space<vmem>>, vector<16xf32>,
      %sub3A_915 = arith.subf %sub3A_898, %add3A_907 : vector<16xf32>
      %sub3A_916 = arith.subf %sub3A_417, %add3A_907 : vector<16xf32>
      %mul3A_917 = arith.mulf %get3A_598, %sub3A_915 : vector<16xf32>
      %mul3A_918 = arith.mulf %sub3A_693, %sub3A_915 : vector<16xf32>
      %sub3A_919 = arith.subf %mul3A_918, %mul3A_741 : vector<16xf32>
      %min3A_920 = arith.minimumf %mul3A_918, %mul3A_725 : vector<16xf32>
      %min3A_921 = arith.minimumf %sub3A_919, %min3A_920 : vector<16xf32>
      %max3A_922 = arith.maximumf %min3A_921, %broadcast_in_dim3A_5 : vector<16xf32>
      %min3A_923 = arith.minimumf %mul3A_917, %mul3A_709 : vector<16xf32>
      %add3A_924 = arith.addf %max3A_922, %min3A_923 : vector<16xf32>
      %mul3A_925 = arith.constant 16 : i32
      %mul3A_926 = arith.muli %scan3A_521, %mul3A_925 : i32
      %add3A_927 = arith.constant 10 : i32
      %add3A_928 = arith.addi %mul3A_926, %add3A_927 : i32
      %swap3A_929 = arith.index_cast %add3A_928 : i32 to index
      %swap3A_930 = arith.constant 0 : index
      %swap3A_931 = tpu.vector_load %arg5[%swap3A_929, %swap3A_930] {strides = array<i32>} : memref<256x16xf32, #tpu.memory_space<vmem>>, vector<16xf32>,
      tpu.vector_store %arg5[%swap3A_929, %swap3A_930], %add3A_924 {strides = array<i32>} : memref<256x16xf32, #tpu.memory_space<vmem>>, vector<16xf32>,
      %sub3A_932 = arith.subf %sub3A_915, %add3A_924 : vector<16xf32>
      %sub3A_933 = arith.subf %sub3A_434, %add3A_924 : vector<16xf32>
      %mul3A_934 = arith.mulf %get3A_605, %sub3A_932 : vector<16xf32>
      %mul3A_935 = arith.mulf %sub3A_694, %sub3A_932 : vector<16xf32>
      %sub3A_936 = arith.subf %mul3A_935, %mul3A_742 : vector<16xf32>
      %min3A_937 = arith.minimumf %mul3A_935, %mul3A_726 : vector<16xf32>
      %min3A_938 = arith.minimumf %sub3A_936, %min3A_937 : vector<16xf32>
      %max3A_939 = arith.maximumf %min3A_938, %broadcast_in_dim3A_5 : vector<16xf32>
      %min3A_940 = arith.minimumf %mul3A_934, %mul3A_710 : vector<16xf32>
      %add3A_941 = arith.addf %max3A_939, %min3A_940 : vector<16xf32>
      %mul3A_942 = arith.constant 16 : i32
      %mul3A_943 = arith.muli %scan3A_521, %mul3A_942 : i32
      %add3A_944 = arith.constant 11 : i32
      %add3A_945 = arith.addi %mul3A_943, %add3A_944 : i32
      %swap3A_946 = arith.index_cast %add3A_945 : i32 to index
      %swap3A_947 = arith.constant 0 : index
      %swap3A_948 = tpu.vector_load %arg5[%swap3A_946, %swap3A_947] {strides = array<i32>} : memref<256x16xf32, #tpu.memory_space<vmem>>, vector<16xf32>,
      tpu.vector_store %arg5[%swap3A_946, %swap3A_947], %add3A_941 {strides = array<i32>} : memref<256x16xf32, #tpu.memory_space<vmem>>, vector<16xf32>,
      %sub3A_949 = arith.subf %sub3A_932, %add3A_941 : vector<16xf32>
      %sub3A_950 = arith.subf %sub3A_451, %add3A_941 : vector<16xf32>
      %mul3A_951 = arith.mulf %get3A_612, %sub3A_949 : vector<16xf32>
      %mul3A_952 = arith.mulf %sub3A_695, %sub3A_949 : vector<16xf32>
      %sub3A_953 = arith.subf %mul3A_952, %mul3A_743 : vector<16xf32>
      %min3A_954 = arith.minimumf %mul3A_952, %mul3A_727 : vector<16xf32>
      %min3A_955 = arith.minimumf %sub3A_953, %min3A_954 : vector<16xf32>
      %max3A_956 = arith.maximumf %min3A_955, %broadcast_in_dim3A_5 : vector<16xf32>
      %min3A_957 = arith.minimumf %mul3A_951, %mul3A_711 : vector<16xf32>
      %add3A_958 = arith.addf %max3A_956, %min3A_957 : vector<16xf32>
      %mul3A_959 = arith.constant 16 : i32
      %mul3A_960 = arith.muli %scan3A_521, %mul3A_959 : i32
      %add3A_961 = arith.constant 12 : i32
      %add3A_962 = arith.addi %mul3A_960, %add3A_961 : i32
      %swap3A_963 = arith.index_cast %add3A_962 : i32 to index
      %swap3A_964 = arith.constant 0 : index
      %swap3A_965 = tpu.vector_load %arg5[%swap3A_963, %swap3A_964] {strides = array<i32>} : memref<256x16xf32, #tpu.memory_space<vmem>>, vector<16xf32>,
      tpu.vector_store %arg5[%swap3A_963, %swap3A_964], %add3A_958 {strides = array<i32>} : memref<256x16xf32, #tpu.memory_space<vmem>>, vector<16xf32>,
      %sub3A_966 = arith.subf %sub3A_949, %add3A_958 : vector<16xf32>
      %sub3A_967 = arith.subf %sub3A_468, %add3A_958 : vector<16xf32>
      %mul3A_968 = arith.mulf %get3A_619, %sub3A_966 : vector<16xf32>
      %mul3A_969 = arith.mulf %sub3A_696, %sub3A_966 : vector<16xf32>
      %sub3A_970 = arith.subf %mul3A_969, %mul3A_744 : vector<16xf32>
      %min3A_971 = arith.minimumf %mul3A_969, %mul3A_728 : vector<16xf32>
      %min3A_972 = arith.minimumf %sub3A_970, %min3A_971 : vector<16xf32>
      %max3A_973 = arith.maximumf %min3A_972, %broadcast_in_dim3A_5 : vector<16xf32>
      %min3A_974 = arith.minimumf %mul3A_968, %mul3A_712 : vector<16xf32>
      %add3A_975 = arith.addf %max3A_973, %min3A_974 : vector<16xf32>
      %mul3A_976 = arith.constant 16 : i32
      %mul3A_977 = arith.muli %scan3A_521, %mul3A_976 : i32
      %add3A_978 = arith.constant 13 : i32
      %add3A_979 = arith.addi %mul3A_977, %add3A_978 : i32
      %swap3A_980 = arith.index_cast %add3A_979 : i32 to index
      %swap3A_981 = arith.constant 0 : index
      %swap3A_982 = tpu.vector_load %arg5[%swap3A_980, %swap3A_981] {strides = array<i32>} : memref<256x16xf32, #tpu.memory_space<vmem>>, vector<16xf32>,
      tpu.vector_store %arg5[%swap3A_980, %swap3A_981], %add3A_975 {strides = array<i32>} : memref<256x16xf32, #tpu.memory_space<vmem>>, vector<16xf32>,
      %sub3A_983 = arith.subf %sub3A_966, %add3A_975 : vector<16xf32>
      %sub3A_984 = arith.subf %sub3A_485, %add3A_975 : vector<16xf32>
      %mul3A_985 = arith.mulf %get3A_626, %sub3A_983 : vector<16xf32>
      %mul3A_986 = arith.mulf %sub3A_697, %sub3A_983 : vector<16xf32>
      %sub3A_987 = arith.subf %mul3A_986, %mul3A_745 : vector<16xf32>
      %min3A_988 = arith.minimumf %mul3A_986, %mul3A_729 : vector<16xf32>
      %min3A_989 = arith.minimumf %sub3A_987, %min3A_988 : vector<16xf32>
      %max3A_990 = arith.maximumf %min3A_989, %broadcast_in_dim3A_5 : vector<16xf32>
      %min3A_991 = arith.minimumf %mul3A_985, %mul3A_713 : vector<16xf32>
      %add3A_992 = arith.addf %max3A_990, %min3A_991 : vector<16xf32>
      %mul3A_993 = arith.constant 16 : i32
      %mul3A_994 = arith.muli %scan3A_521, %mul3A_993 : i32
      %add3A_995 = arith.constant 14 : i32
      %add3A_996 = arith.addi %mul3A_994, %add3A_995 : i32
      %swap3A_997 = arith.index_cast %add3A_996 : i32 to index
      %swap3A_998 = arith.constant 0 : index
      %swap3A_999 = tpu.vector_load %arg5[%swap3A_997, %swap3A_998] {strides = array<i32>} : memref<256x16xf32, #tpu.memory_space<vmem>>, vector<16xf32>,
      tpu.vector_store %arg5[%swap3A_997, %swap3A_998], %add3A_992 {strides = array<i32>} : memref<256x16xf32, #tpu.memory_space<vmem>>, vector<16xf32>,
      %sub3A_1000 = arith.subf %sub3A_983, %add3A_992 : vector<16xf32>
      %sub3A_1001 = arith.subf %sub3A_502, %add3A_992 : vector<16xf32>
      %mul3A_1002 = arith.mulf %get3A_633, %sub3A_1000 : vector<16xf32>
      %mul3A_1003 = arith.mulf %sub3A_698, %sub3A_1000 : vector<16xf32>
      %sub3A_1004 = arith.subf %mul3A_1003, %mul3A_746 : vector<16xf32>
      %min3A_1005 = arith.minimumf %mul3A_1003, %mul3A_730 : vector<16xf32>
      %min3A_1006 = arith.minimumf %sub3A_1004, %min3A_1005 : vector<16xf32>
      %max3A_1007 = arith.maximumf %min3A_1006, %broadcast_in_dim3A_5 : vector<16xf32>
      %min3A_1008 = arith.minimumf %mul3A_1002, %mul3A_714 : vector<16xf32>
      %add3A_1009 = arith.addf %max3A_1007, %min3A_1008 : vector<16xf32>
      %mul3A_1010 = arith.constant 16 : i32
      %mul3A_1011 = arith.muli %scan3A_521, %mul3A_1010 : i32
      %add3A_1012 = arith.constant 15 : i32
      %add3A_1013 = arith.addi %mul3A_1011, %add3A_1012 : i32
      %swap3A_1014 = arith.index_cast %add3A_1013 : i32 to index
      %swap3A_1015 = arith.constant 0 : index
      %swap3A_1016 = tpu.vector_load %arg5[%swap3A_1014, %swap3A_1015] {strides = array<i32>} : memref<256x16xf32, #tpu.memory_space<vmem>>, vector<16xf32>,
      tpu.vector_store %arg5[%swap3A_1014, %swap3A_1015], %add3A_1009 {strides = array<i32>} : memref<256x16xf32, #tpu.memory_space<vmem>>, vector<16xf32>,
      %sub3A_1017 = arith.subf %sub3A_1000, %add3A_1009 : vector<16xf32>
      %sub3A_1018 = arith.subf %sub3A_519, %add3A_1009 : vector<16xf32>
      scf.yield %sub3A_763, %sub3A_780, %sub3A_797, %sub3A_814, %sub3A_831, %sub3A_848, %sub3A_865, %sub3A_882, %sub3A_899, %sub3A_916, %sub3A_933, %sub3A_950, %sub3A_967, %sub3A_984, %sub3A_1001, %sub3A_1018 : vector<16xf32>, vector<16xf32>, vector<16xf32>, vector<16xf32>, vector<16xf32>, vector<16xf32>, vector<16xf32>, vector<16xf32>, vector<16xf32>, vector<16xf32>, vector<16xf32>, vector<16xf32>, vector<16xf32>, vector<16xf32>, vector<16xf32>, vector<16xf32>
    }
    %scan3A_10 = arith.constant 16 : i32
    "tpu.region"() ({
      %run_scoped3A = tpu.sem_alloc : memref<!tpu.dma_semaphore, #tpu.memory_space<semaphore_mem>>
      %dma_start3A = arith.constant 0 : i32
      %dma_start3A_11 = tpu.memref_slice %arg3[%dma_start3A, %mul3A_2] : memref<256x512xf32, #tpu.memory_space<hbm>> -> memref<256x16xf32, #tpu.memory_space<hbm>>
      %dma_start3A_12 = arith.constant 0 : i32
      %dma_start3A_13 = tpu.memref_slice %arg3[%dma_start3A_12, %mul3A_2] : memref<256x512xf32, #tpu.memory_space<hbm>> -> memref<256x16xf32, #tpu.memory_space<hbm>>
      tpu.enqueue_dma source(%arg5 : memref<256x16xf32, #tpu.memory_space<vmem>>) target(%dma_start3A_13 : memref<256x16xf32, #tpu.memory_space<hbm>>) target_semaphore(%run_scoped3A : memref<!tpu.dma_semaphore, #tpu.memory_space<semaphore_mem>>)
      %dma_wait3A = arith.constant 0 : i32
      %dma_wait3A_14 = tpu.memref_slice %arg3[%dma_wait3A, %mul3A_2] : memref<256x512xf32, #tpu.memory_space<hbm>> -> memref<256x16xf32, #tpu.memory_space<hbm>>
      %dma_wait3A_15 = arith.constant 0 : i32
      %dma_wait3A_16 = tpu.memref_slice %arg3[%dma_wait3A_15, %mul3A_2] : memref<256x512xf32, #tpu.memory_space<hbm>> -> memref<256x16xf32, #tpu.memory_space<hbm>>
      tpu.wait_dma2 semaphore(%run_scoped3A : memref<!tpu.dma_semaphore, #tpu.memory_space<semaphore_mem>>) src(%arg5 : memref<256x16xf32, #tpu.memory_space<vmem>>) dst(%dma_wait3A_16 : memref<256x16xf32, #tpu.memory_space<hbm>>)
      tpu.yield
    }) : () -> ()
    return
  }
}

</mosaic_0001>

<sc_bundles>
// kernel: kernel.3.cloned.1.call-start
scs
__scs_entry_jumppad:
0x0: {  	(pc) =	sbr.rel $0x88, $3  }
0x1: {  	(tag) =	ssettag $0x0;
	lr =	simm.s32 $0x1  }
0x2: {  	[smem:$0x3FA0] =	sst lr;
	_ =	strace $0xD0000000  }
0x3: {  	_ = 	snop  }
0x4: {  	_ = 	snop  }
0x5: {  	_ = 	snop  }
0x6: {  	_ = 	snop  }
0x7: {  	_ = 	snop  }
__scs_overlays_trampoline_lowered:
0x8: {  	[smem:$0x3FAF] =	sst s0  }
0x9: {  	[smem:$0x3FB0] =	sst s1  }
0xa: {  	[smem:$0x3FB1] =	sst s2  }
0xb: {  	[smem:$0x3FB2] =	sst s3  }
0xc: {  	[smem:$0x3FB3] =	sst s4  }
0xd: {  	[smem:$0x3FB4] =	sst s5  }
0xe: {  	[smem:$0x3FB5] =	sst s6  }
0xf: {  	[smem:$0x3FB6] =	sst s7  }
0x10: {  	[smem:$0x3FB7] =	sst s8  }
0x11: {  	[smem:$0x3FB8] =	sst s9;
	s0 =	simm.s32 @!p0 $0x0  }
0x12: {  	s1 =	sld [smem:$0x3F9E];
	s0 =	simm.s32 @p0 $0x1  }
0x13: {  	[smem:$0x3FB9] =	sst s0;
	s0 =	simm.s32 @!p1 $0x0  }
0x14: {  	s2 =	sld [smem:$0x3F9D];
	s0 =	simm.s32 @p1 $0x1  }
0x15: {  	[smem:$0x3FBA] =	sst s0;
	s0 =	simm.s32 @!p2 $0x0  }
0x16: {  	s3 =	sld [smem:$0x3FDB];
	s0 =	simm.s32 @p2 $0x1  }
0x17: {  	s4 =	simm.s32 $0x1BF5;
	[smem:$0x3FBC] =	sst s0  }
0x18: {  	s0 =	sld [smem:$0x3F9F];
	_ =	swait.ge [sflag:s4], $0x0  }
0x19: {  	s7 =	sld [smem:$0x3FA0]  }
0x1a: {  	s8 =	sadd.s32 $0xFFFFE003, lr  }
0x1b: {  	s9 =	sadd.s32 $0xFFFFFEF7, lr;
	s5 =	simm.s32 $0xFFFFFFFF;
	p2 =	slt.u32 s8, $0xFFFFF086  }
0x1c: {  	p1 =	slt.u32 s9, $0xF7A;
	s5 =	simm.s32 @!p2 $0x0  }
0x1d: {  	s5 =	simm.s32 @p1 $0x1;
	p0 =	seq.s32 s7, s2  }
0x1e: {  	s7 =	smul.u32 @!p0 $0xF7A, s2;
	p2 =	seq.s32 @!p0 s5, $0x0  }
0x1f: {  	s9 =	smul.u32 $0xF7A, s1;
	s8 =	simm.s32 @!p0 $0x1BF5;
	p2 =	por !p2, p0  }
0x20: {  	[sflag:s8] =	ssyncset.s32 @!p0 $0xFFFFF086;
	s6 =	sadd.s32 @!p0 s3, s7;
	s7 =	simm.s32 @!p0 $0x108  }
0x21: {  	s3 =	sadd.s32 s3, s9;
	s6 =	sadd.s32 @!p0 $0x88, s6;
	s7 =	simm.s32 @p2 $0x1082  }
0x22: {  	[simem:s7], [sflag:s8] =	dma.local @!p0 [hbm:s6], $0xF7A  }
0x23: {  	s9 =	sor.u32 $0xD0000000, s2;
	s6 =	simm.s32 $0x108;
	_ =	swait.ge @!p0 [sflag:s8], $0x0  }
0x24: {  	s3 =	sadd.s32 $0x88, s3;
	s6 =	simm.s32 @!p1 $0x1082;
	[sflag:s4] =	ssyncset.s32 $0xFFFFF086  }
0x25: {  	[simem:s6], [sflag:s4] =	dma.local [hbm:s3], $0xF7A  }
0x26: {  	[smem:$0x3FA0] =	sst s1;
	(tag) =	ssettag s2;
	_ =	strace s9  }
0x27: {  	s1 =	sld [smem:$0x3FB0]  }
0x28: {  	s2 =	sld [smem:$0x3FB1]  }
0x29: {  	s4 =	sld [smem:$0x3FB3]  }
0x2a: {  	p0 =	seq.s32 s5, $0x0;
	s5 =	sld [smem:$0x3FB4]  }
0x2b: {  	s6 =	sld [smem:$0x3FB5]  }
0x2c: {  	s7 =	sld [smem:$0x3FB6]  }
0x2d: {  	s3 =	simm.s32 $0x108;
	s8 =	sld [smem:$0x3FB7]  }
0x2e: {  	s3 =	simm.s32 @!p0 $0x1082;
	s9 =	sld [smem:$0x3FB8]  }
0x2f: {  	lr =	sadd.s32 s0, s3;
	s0 =	sld [smem:$0x3FAF]  }
0x30: {  	s3 =	sld [smem:$0x3FB2]  }
0x31: {  	[smem:$0x3FBB] =	sst s10  }
0x32: {  	s10 =	sld [smem:$0x3FB9];
	_ =	sdelay $0x3  }
0x33: {  	p0 =	seq.s32 s10, $0x1;
	s10 =	sld [smem:$0x3FBB];
	_ =	sdelay $0x3  }
0x34: {  	[smem:$0x3FBB] =	sst s10  }
0x35: {  	s10 =	sld [smem:$0x3FBA];
	_ =	sdelay $0x3  }
0x36: {  	p1 =	seq.s32 s10, $0x1;
	s10 =	sld [smem:$0x3FBB];
	_ =	sdelay $0x3  }
0x37: {  	[smem:$0x3FBB] =	sst s10  }
0x38: {  	s10 =	sld [smem:$0x3FBC]  }
0x39: {  	_ = 	snop;
	(pc) =	sbr.ind lr, $3  }
0x3a: {  	_ = 	snop  }
0x3b: {  	_ = 	snop  }
0x3c: {  	p2 =	seq.s32 s10, $0x1;
	s10 =	sld [smem:$0x3FBB]  }
0x3d: {  	_ =	shalt  }
0x3e: {  	_ =	shalt  }
0x3f: {  	_ =	shalt  }
0x40: {  	_ =	shalt  }
0x41: {  	_ =	shalt  }
0x42: {  	_ =	shalt  }
0x43: {  	_ =	shalt  }
0x44: {  	_ =	shalt  }
0x45: {  	_ =	shalt  }
0x46: {  	_ =	shalt  }
0x47: {  	_ =	shalt  }
0x48: {  	_ =	shalt  }
0x49: {  	_ =	shalt  }
0x4a: {  	_ =	shalt  }
0x4b: {  	_ =	shalt  }
0x4c: {  	_ =	shalt  }
0x4d: {  	_ =	shalt  }
0x4e: {  	_ =	shalt  }
0x4f: {  	_ =	shalt  }
0x50: {  	_ =	shalt  }
0x51: {  	_ =	shalt  }
0x52: {  	_ =	shalt  }
0x53: {  	_ =	shalt  }
0x54: {  	_ =	shalt  }
0x55: {  	_ =	shalt  }
0x56: {  	_ =	shalt  }
0x57: {  	_ =	shalt  }
0x58: {  	_ =	shalt  }
0x59: {  	_ =	shalt  }
0x5a: {  	_ =	shalt  }
0x5b: {  	_ =	shalt  }
0x5c: {  	_ =	shalt  }
0x5d: {  	_ =	shalt  }
0x5e: {  	_ =	shalt  }
0x5f: {  	_ =	shalt  }
0x60: {  	_ =	shalt  }
0x61: {  	_ =	shalt  }
0x62: {  	_ =	shalt  }
0x63: {  	_ =	shalt  }
0x64: {  	_ =	shalt  }
0x65: {  	_ =	shalt  }
0x66: {  	_ =	shalt  }
0x67: {  	_ =	shalt  }
0x68: {  	_ =	shalt  }
0x69: {  	_ =	shalt  }
0x6a: {  	_ =	shalt  }
0x6b: {  	_ =	shalt  }
0x6c: {  	_ =	shalt  }
0x6d: {  	_ =	shalt  }
0x6e: {  	_ =	shalt  }
0x6f: {  	_ =	shalt  }
0x70: {  	_ =	shalt  }
0x71: {  	_ =	shalt  }
0x72: {  	_ =	shalt  }
0x73: {  	_ =	shalt  }
0x74: {  	_ =	shalt  }
0x75: {  	_ =	shalt  }
0x76: {  	_ =	shalt  }
0x77: {  	_ =	shalt  }
0x78: {  	_ =	shalt  }
0x79: {  	_ =	shalt  }
0x7a: {  	_ =	shalt  }
0x7b: {  	_ =	shalt  }
0x7c: {  	_ =	shalt  }
0x7d: {  	_ =	shalt  }
0x7e: {  	_ =	shalt  }
0x7f: {  	_ =	shalt  }
0x80: {  	_ =	shalt  }
0x81: {  	_ =	shalt  }
0x82: {  	_ =	shalt  }
0x83: {  	_ =	shalt  }
0x84: {  	_ =	shalt  }
0x85: {  	_ =	shalt  }
0x86: {  	_ =	shalt  }
0x87: {  	_ =	shalt  }
.Lfunc_end0:
.L_simem_size_0:
called_computation_lowered:
.L_overlay_start_0:
0x88: {  	s2 =	sld [smem:$0x3FD9]  }
0x89: {  	s3 =	sld [smem:$0x3FFE];
	_ =	sdelay $0x1  }
0x8a: {  	s1 =	srdreg.scid  }
0x8b: {  	s0 =	sand.u32 $0x1, s1  }
0x8c: {  	s17 =	sshll.u32 s0, $0xA;
	s2 =	sadd.s32 s3, s2  }
0x8d: {  	s2 =	sadd.s32 s2, s17  }
0x8e: {  	[smem:$0x3FC7] =	sst s2  }
0x8f: {  	_ = 	snop  }
0x90: {  	s2 =	sld [smem:$0x3FD0];
	(tm) =	ssettm $0x1  }
0x91: {  	s18 =	sld [smem:$0x3FFB];
	_ =	sdelay $0x3  }
0x92: {  	_ =	strace s18  }
0x93: {  	s3 =	sld [smem:$0x3FFC];
	_ =	sdelay $0x3  }
0x94: {  	_ =	strace s3  }
0x95: {  	s3 =	sld [smem:$0x3FFD];
	_ =	sdelay $0x3  }
0x96: {  	_ =	strace s3  }
0x97: {  	_ =	strace $0x8FFFFFFF  }
0x98: {  	s19 =	sld [smem:$0x3FDB];
	_ =	sdelay $0x1  }
0x99: {  	s4 =	simm.s32 $_scs_section_size  }
0x9a: {  	s5 =	simm.s32 $_size__tile_overlayer_lowered;
	s6 =	simm.s32 $_tile_overlayer_lowered  }
0x9b: {  	s22 =	simm.s32 $0x1BFF;
	s21 =	sshll.u32 s6, $0x1;
	s3 =	sadd.s32 s4, s19  }
0x9c: {  	s7 =	simm.s32 $0x0;
	s20 =	sshll.u32 s5, $0x1;
	s5 =	sadd.s32 s21, s3  }
0x9d: {  	[timem:s7], [sflag:s22] =	dma.local [hbm:s5], s20  }
0x9e: {  	_ =	swait.ge [sflag:s22], s20  }
0x9f: {  	s4 =	ssub.s32 $0x0, s20;
	[sflag:s22] =	ssyncset.done $0x0  }
0xa0: {  	[sflag:s22] =	ssyncadd.s32 s4;
	_ =	sdelay $0x1  }
0xa1: {  	s23 =	simm.s32 $0x1B8B  }
0xa2: {  	_ =	swait.ge [sflag:s23], $0x1  }
0xa3: {  	[sflag:s23] =	ssyncset.done $0x0  }
0xa4: {  	s25 =	simm.s32 $0x1B8E;
	s24 =	sld [smem:$0x3FFE];
	[sflag:s23] =	ssyncadd.s32 $0xFFFFFFFF  }
0xa5: {  	s26 =	simm.s32 $execute0_lowered;
	[smem:$0x3FD2] =	sst s25  }
0xa6: {  	s5 =	sshll.u32 s26, $0x1;
	_ =	strace $0x80000046;
	[dreg:$0x1] =	wrdreg $0xFFFFFFFF  }
0xa7: {  	s28 =	simm.s32 $_size_execute0_lowered;
	s3 =	sadd.s32 s3, s5;
	[dreg:$0x0] =	wrdreg $0x0  }
0xa8: {  	s5 =	sshll.u32 s28, $0x1;
	[dreg:$0x2] =	wrdreg s3  }
0xa9: {  	[dreg:$0x3] =	wrdreg s5  }
0xaa: {  	[dreg:$0x4] =	wrdreg $0xC0  }
0xab: {  	_ =	task [dreg:s7], $0x5FFFF  }
0xac: {  	[dreg:$0x1] =	wrdreg $0xFFFFFFFF  }
0xad: {  	[dreg:$0x0] =	wrdreg $0x60  }
0xae: {  	[dreg:$0x2] =	wrdreg s2  }
0xaf: {  	[dreg:$0x3] =	wrdreg s24  }
0xb0: {  	[dreg:$0x4] =	wrdreg $0x9  }
0xb1: {  	_ =	task.clear_ibuf [dreg:s7], $0x5FFFF;
	_ =	strace $0x90000046  }
0xb2: {  	s29 =	simm.s32 $0x9;
	_ =	strace $0x80000048  }
0xb3: {  	_ =	swait.ge [sflag:s29], $0x1  }
0xb4: {  	[sflag:s29] =	ssyncadd.s32 $0xFFFFFFFF  }
0xb5: {  	_ =	strace $0x90000048  }
0xb6: {  	_ =	sfence  }
0xb7: {  	s30 =	sld [smem:$0x0];
	_ =	sdelay $0x2  }
0xb8: {  	s31 =	sshll.u32 s1, $0xD;
	s1 =	sshrl.u32 s1, $0x2  }
0xb9: {  	s3 =	sand.u32 $0x4000, s31;
	s1 =	sadd.s32 s1, s30  }
0xba: {  	s0 =	sor.u32 s3, s0;
	s1 =	sshll.u32 s1, $0x11  }
0xbb: {  	s0 =	sor.u32 s1, s0  }
0xbc: {  	s0 =	sadd.s32 $0x8F2B, s0  }
0xbd: {  	[sflag:s0] =	ssyncadd.remote.s32 $0x1  }
0xbe: {  	_ =	sfence.sel $0xFFFF  }
0xbf: {  	[dreg:$0x0] =	wrdreg $0xFFFFFFFF;
	(pc) =	sbr.abs _section_cstart, $3  }
0xc0: {  	[dreg:$0x1] =	wrdreg $0xFFFFFFFF  }
0xc1: {  	_ =	task.clear_ibuf [dreg:s7], $0x2FFFF;
	_ =	strace $0x9FFFFFFF  }
0xc2: {  	(tm) =	ssettm $0x7FFFFFFF  }
0xc3: {  	_ =	shalt  }
tec
execute0_lowered:
.L_overlay_start_1:
0x0: {  	(tag) =	ssettag $0x1  }
0x1: {  	s3 =	rddreg [dreg:$0x0]  }
0x2: {  	s4 =	rddreg [dreg:$0x1];
	s2 =	srdreg.scid  }
0x3: {  	s0 =	rddreg [dreg:$0x2];
	s1 =	stileid.u32;
	s8 =	simm.s32 $0x1  }
0x4: {  	s9 =	simm.s32 $0x1000;
	s10 =	simm.s32 $0x0;
	s5 =	sand.u32 $0x1, s2  }
0x5: {  	s2 =	simm.s32 $0x0;
	s6 =	sshll.u32 s1, $0x2;
	s7 =	sshll.u32 s5, $0x1  }
0x6: {  	[smem:$0x7FF] =	sst s2;
	s5 =	ssub.s32 $0x2, s5;
	s6 =	sor.u32 s7, s6  }
0x7: {  	_ =	strace $0x80000047;
	s31 =	sshrl.u32 s5, $0x1;
	s7 =	simm.s32 $0x200  }
0x8: {  	s4 =	sadd.s32 s6, s4;
	s5 =	ssub.s32 s5, s31;
	s3 =	sadd.s32 s3, s6  }
0x9: {  	s6 =	simm.s32 $0x10;
	s4 =	sadd.s32 $0x400, s4;
	s5 =	smax.u32 s5, $0x1  }
.LBB2_1:
0xa: {  	v0 =	vimm.f32 $1.000000000e+00  }
0xb: {  	v1 =	vimm.f32 $1.000000000e+00;
	v2 =	vimm.f32 $1.000000000e+00;
	v3 =	vimm.f32 $1.000000000e+00  }
0xc: {  	[tilespmem:s2], [sflag:$0x1] =	stream.strided.gather [hbm4b:s3+s6], $0x1000, s7, s6, $0x38;
	v4 =	vimm.f32 $1.000000000e+00;
	v5 =	vimm.f32 $1.000000000e+00;
	v8 =	vimm.f32 $1.000000000e+00;
	[tilespmem:$0x2000] =	vst v63  }
0xd: {  	v6 =	vimm.f32 $1.000000000e+00;
	v9 =	vimm.f32 $1.000000000e+00;
	v10 =	vimm.f32 $1.000000000e+00;
	_ =	swait.ge [sflag:s8], $0x1000  }
0xe: {  	v7 =	vimm.f32 $1.000000000e+00;
	v11 =	vimm.f32 $1.000000000e+00;
	v12 =	vimm.f32 $1.000000000e+00;
	s11 =	simm.s32 $0xFFFFFFFE;
	[sflag:s8] =	ssyncset.done $0x0  }
0xf: {  	s12 =	simm.s32 $0x100;
	s13 =	simm.s32 $0x1100;
	v13 =	vimm.f32 $1.000000000e+00;
	v14 =	vimm.f32 $1.000000000e+00;
	v15 =	vimm.f32 $1.000000000e+00;
	[sflag:s8] =	ssyncadd.s32 $0xFFFFF000  }
.LBB2_2:
0x10: {  	v17 =	vadd.f32 v13, v14;
	v19 =	vadd.f32 v11, v12  }
0x11: {  	v21 =	vadd.f32 v10, v7;
	v22 =	vadd.f32 v6, v9  }
0x12: {  	v23 =	vadd.f32 v5, v8;
	v24 =	vadd.f32 v3, v4  }
0x13: {  	v27 =	vadd.f32 v1, v2;
	v16 =	vadd.f32 $0.0e+00, v0  }
0x14: {  	v28 =	vld [tilespmem:s12+$0xFFFFFF00];
	v17 =	vadd.f32 v19, v17;
	v29 =	vadd.f32 v22, v21  }
0x15: {  	v30 =	vadd.f32 v24, v23;
	v18 =	vadd.f32 v16, v27;
	_ =	sdelay $0x1  }
0x16: {  	v17 =	vadd.f32 v29, v17;
	v25 =	vadd.f32 v18, v30  }
0x17: {  	v20 =	vadd.f32 v12, v13;
	v31 =	vadd.f32 v7, v11  }
0x18: {  	v26 =	vsub.f32 $1.000000000e+00, v28;
	v17 =	vadd.f32 v25, v17  }
0x19: {  	v32 =	vadd.f32 v9, v10;
	v33 =	vadd.f32 v8, v6  }
0x1a: {  	v34 =	vadd.f32 v4, v5;
	v35 =	vadd.f32 v2, v3;
	v17 =	vmul.f32 v26, v17  }
0x1b: {  	v41 =	vld [tilespmem:s12+$0xFFFFFF10];
	v36 =	vadd.f32 v0, v1;
	v37 =	vadd.f32 v31, v20;
	v40 =	vmul.f32 v26, v15  }
0x1c: {  	v38 =	vadd.f32 v33, v32;
	v42 =	vmul.f32 v28, v15;
	v17 =	vsub.f32 v26, v17  }
0x1d: {  	v39 =	vadd.f32 v35, v34;
	v20 =	vadd.f32 $0.0e+00, v36;
	v40 =	vmin.f32 v26, v40  }
0x1e: {  	v37 =	vadd.f32 v38, v37;
	v28 =	vmin.f32 v28, v42;
	v17 =	vclamp.gez.f32 v17, v40  }
0x1f: {  	v26 =	vadd.f32 v20, v39;
	v17 =	vadd.f32 v17, v28  }
0x20: {  	v52 =	vsub.f32 $1.000000000e+00, v41  }
0x21: {  	v51 =	vadd.f32 v26, v37;
	v53 =	vsub.f32 $1.000000000e+00, v17;
	_ =	sdelay $0x1  }
0x22: {  	v54 =	vmul.f32 v52, v51;
	v55 =	vmul.f32 v53, v52  }
0x23: {  	v57 =	vld [tilespmem:s12+$0xFFFFFF20];
	v19 =	vadd.f32 v21, v19;
	v58 =	vmul.f32 v41, v14;
	v56 =	vmul.f32 v52, v14  }
0x24: {  	v42 =	vadd.f32 v23, v22;
	v59 =	vmul.f32 v53, v41;
	v21 =	vsub.f32 v55, v54  }
0x25: {  	v24 =	vadd.f32 v27, v24;
	v61 =	vmin.f32 v55, v56  }
0x26: {  	v60 =	vadd.f32 v42, v19;
	v62 =	vmin.f32 v59, v58;
	v19 =	vclamp.gez.f32 v21, v61  }
0x27: {  	v28 =	vadd.f32 v16, v24;
	v19 =	vadd.f32 v19, v62  }
0x28: {  	v37 =	vsub.f32 $1.000000000e+00, v57  }
0x29: {  	v63 =	vadd.f32 v28, v60;
	v40 =	vsub.f32 v53, v19;
	_ =	sdelay $0x1  }
0x2a: {  	v21 =	vmul.f32 v37, v63;
	v41 =	vmul.f32 v40, v37  }
0x2b: {  	v43 =	vld [tilespmem:s12+$0xFFFFFF30];
	v31 =	vadd.f32 v32, v31;
	v33 =	vadd.f32 v34, v33;
	v22 =	vmul.f32 v37, v13  }
0x2c: {  	v44 =	vmul.f32 v57, v13;
	v23 =	vmul.f32 v40, v57;
	v21 =	vsub.f32 v41, v21  }
0x2d: {  	v34 =	vadd.f32 v36, v35;
	v22 =	vmin.f32 v41, v22  }
0x2e: {  	v31 =	vadd.f32 v33, v31;
	v45 =	vmin.f32 v23, v44;
	v21 =	vclamp.gez.f32 v21, v22  }
0x2f: {  	v32 =	vadd.f32 $0.0e+00, v34;
	v21 =	vadd.f32 v21, v45  }
0x30: {  	v47 =	vsub.f32 $1.000000000e+00, v43  }
0x31: {  	v46 =	vadd.f32 v32, v31;
	v27 =	vsub.f32 v40, v21;
	_ =	sdelay $0x1  }
0x32: {  	v22 =	vmul.f32 v47, v46;
	v48 =	vmul.f32 v27, v47  }
0x33: {  	v23 =	vmul.f32 v47, v12  }
0x34: {  	v49 =	vld [tilespmem:s12+$0xFFFFFF40];
	v50 =	vmul.f32 v43, v12;
	v35 =	vmul.f32 v27, v43;
	v22 =	vsub.f32 v48, v22  }
0x35: {  	v23 =	vmin.f32 v48, v23  }
0x36: {  	v29 =	vadd.f32 v30, v29;
	v51 =	vmin.f32 v35, v50;
	v22 =	vclamp.gez.f32 v22, v23  }
0x37: {  	v22 =	vadd.f32 v22, v51  }
0x38: {  	v52 =	vadd.f32 v18, v29  }
0x39: {  	v53 =	vsub.f32 $1.000000000e+00, v49;
	v27 =	vsub.f32 v27, v22;
	_ =	sdelay $0x1  }
0x3a: {  	v23 =	vmul.f32 v53, v52;
	v54 =	vmul.f32 v27, v53  }
0x3b: {  	v55 =	vld [tilespmem:s12+$0xFFFFFF50];
	v29 =	vmul.f32 v53, v11  }
0x3c: {  	v56 =	vmul.f32 v49, v11;
	v36 =	vmul.f32 v27, v49;
	v23 =	vsub.f32 v54, v23  }
0x3d: {  	v29 =	vmin.f32 v54, v29  }
0x3e: {  	v58 =	vmin.f32 v36, v56;
	v23 =	vclamp.gez.f32 v23, v29  }
0x3f: {  	v57 =	vadd.f32 v39, v38;
	v23 =	vadd.f32 v23, v58  }
0x40: {  	v60 =	vsub.f32 $1.000000000e+00, v55  }
0x41: {  	v59 =	vadd.f32 v20, v57;
	v27 =	vsub.f32 v27, v23;
	_ =	sdelay $0x1  }
0x42: {  	v29 =	vmul.f32 v60, v59;
	v61 =	vmul.f32 v27, v60  }
0x43: {  	v62 =	vld [tilespmem:s12+$0xFFFFFF60];
	v30 =	vmul.f32 v60, v7  }
0x44: {  	v63 =	vmul.f32 v55, v7;
	v31 =	vmul.f32 v27, v55;
	v29 =	vsub.f32 v61, v29  }
0x45: {  	v30 =	vmin.f32 v61, v30  }
0x46: {  	v40 =	vadd.f32 v24, v42;
	v42 =	vmin.f32 v31, v63;
	v41 =	vclamp.gez.f32 v29, v30  }
0x47: {  	v24 =	vadd.f32 v41, v42  }
0x48: {  	v44 =	vsub.f32 $1.000000000e+00, v62  }
0x49: {  	v43 =	vadd.f32 v40, v16;
	v27 =	vsub.f32 v27, v24;
	_ =	sdelay $0x1  }
0x4a: {  	v29 =	vmul.f32 v44, v43;
	v45 =	vmul.f32 v27, v44  }
0x4b: {  	v30 =	vmul.f32 v44, v10  }
0x4c: {  	v46 =	vld [tilespmem:s12+$0xFFFFFF70];
	v47 =	vmul.f32 v62, v10;
	v36 =	vmul.f32 v27, v62;
	v29 =	vsub.f32 v45, v29  }
0x4d: {  	v30 =	vmin.f32 v45, v30  }
0x4e: {  	v48 =	vadd.f32 v34, v33;
	v49 =	vmin.f32 v36, v47;
	v29 =	vclamp.gez.f32 v29, v30  }
0x4f: {  	v29 =	vadd.f32 v29, v49  }
0x50: {  	v50 =	vadd.f32 $0.0e+00, v48  }
0x51: {  	v51 =	vsub.f32 $1.000000000e+00, v46;
	v27 =	vsub.f32 v27, v29;
	_ =	sdelay $0x1  }
0x52: {  	v30 =	vmul.f32 v51, v50;
	v52 =	vmul.f32 v27, v51  }
0x53: {  	v31 =	vmul.f32 v51, v9  }
0x54: {  	v53 =	vld [tilespmem:s12+$0xFFFFFF80];
	v54 =	vmul.f32 v46, v9;
	v35 =	vmul.f32 v27, v46;
	v30 =	vsub.f32 v52, v30  }
0x55: {  	v31 =	vmin.f32 v52, v31  }
0x56: {  	v55 =	vmin.f32 v35, v54;
	v30 =	vclamp.gez.f32 v30, v31  }
0x57: {  	v30 =	vadd.f32 v30, v55;
	_ =	sdelay $0x1  }
0x58: {  	v56 =	vsub.f32 $1.000000000e+00, v53;
	v27 =	vsub.f32 v27, v30;
	_ =	sdelay $0x1  }
0x59: {  	v25 =	vmul.f32 v56, v25;
	v57 =	vmul.f32 v27, v56  }
0x5a: {  	v31 =	vmul.f32 v56, v6  }
0x5b: {  	v58 =	vld [tilespmem:s12+$0xFFFFFF90];
	v59 =	vmul.f32 v53, v6;
	v34 =	vmul.f32 v27, v53;
	v25 =	vsub.f32 v57, v25  }
0x5c: {  	v31 =	vmin.f32 v57, v31  }
0x5d: {  	v60 =	vmin.f32 v34, v59;
	v25 =	vclamp.gez.f32 v25, v31  }
0x5e: {  	v25 =	vadd.f32 v25, v60;
	_ =	sdelay $0x1  }
0x5f: {  	v61 =	vsub.f32 $1.000000000e+00, v58;
	v27 =	vsub.f32 v27, v25;
	_ =	sdelay $0x1  }
0x60: {  	v26 =	vmul.f32 v61, v26;
	v62 =	vmul.f32 v27, v61  }
0x61: {  	v31 =	vmul.f32 v61, v8  }
0x62: {  	v40 =	vmul.f32 v58, v8;
	v63 =	vld [tilespmem:s12+$0xFFFFFFA0];
	v35 =	vmul.f32 v27, v58;
	v26 =	vsub.f32 v62, v26  }
0x63: {  	v31 =	vmin.f32 v62, v31  }
0x64: {  	v41 =	vmin.f32 v35, v40;
	v26 =	vclamp.gez.f32 v26, v31  }
0x65: {  	v26 =	vadd.f32 v26, v41;
	_ =	sdelay $0x1  }
0x66: {  	v42 =	vsub.f32 $1.000000000e+00, v63;
	v27 =	vsub.f32 v27, v26;
	_ =	sdelay $0x1  }
0x67: {  	v28 =	vmul.f32 v42, v28;
	v43 =	vmul.f32 v27, v42  }
0x68: {  	v31 =	vmul.f32 v42, v5  }
0x69: {  	v44 =	vld [tilespmem:s12+$0xFFFFFFB0];
	v45 =	vmul.f32 v63, v5;
	v34 =	vmul.f32 v27, v63;
	v28 =	vsub.f32 v43, v28  }
0x6a: {  	v31 =	vmin.f32 v43, v31  }
0x6b: {  	v46 =	vmin.f32 v34, v45;
	v28 =	vclamp.gez.f32 v28, v31  }
0x6c: {  	v28 =	vadd.f32 v28, v46;
	_ =	sdelay $0x1  }
0x6d: {  	v47 =	vsub.f32 $1.000000000e+00, v44;
	v27 =	vsub.f32 v27, v28;
	_ =	sdelay $0x1  }
0x6e: {  	v32 =	vmul.f32 v47, v32;
	v48 =	vmul.f32 v27, v47  }
0x6f: {  	v31 =	vmul.f32 v47, v4  }
0x70: {  	v49 =	vld [tilespmem:s12+$0xFFFFFFC0];
	v50 =	vmul.f32 v44, v4;
	v35 =	vmul.f32 v27, v44;
	v32 =	vsub.f32 v48, v32  }
0x71: {  	v31 =	vmin.f32 v48, v31  }
0x72: {  	v51 =	vmin.f32 v35, v50;
	v31 =	vclamp.gez.f32 v32, v31  }
0x73: {  	v31 =	vadd.f32 v31, v51;
	_ =	sdelay $0x1  }
0x74: {  	v52 =	vsub.f32 $1.000000000e+00, v49;
	v27 =	vsub.f32 v27, v31;
	_ =	sdelay $0x1  }
0x75: {  	v18 =	vmul.f32 v52, v18;
	v53 =	vmul.f32 v27, v52  }
0x76: {  	v32 =	vmul.f32 v52, v3  }
0x77: {  	v54 =	vld [tilespmem:s12+$0xFFFFFFD0];
	v55 =	vmul.f32 v49, v3;
	v34 =	vmul.f32 v27, v49;
	v18 =	vsub.f32 v53, v18  }
0x78: {  	v32 =	vmin.f32 v53, v32  }
0x79: {  	v56 =	vmin.f32 v34, v55;
	v18 =	vclamp.gez.f32 v18, v32  }
0x7a: {  	v18 =	vadd.f32 v18, v56;
	_ =	sdelay $0x1  }
0x7b: {  	v57 =	vsub.f32 $1.000000000e+00, v54;
	v27 =	vsub.f32 v27, v18;
	_ =	sdelay $0x1  }
0x7c: {  	v20 =	vmul.f32 v57, v20;
	v58 =	vmul.f32 v27, v57  }
0x7d: {  	v32 =	vmul.f32 v57, v2  }
0x7e: {  	v59 =	vld [tilespmem:s12+$0xFFFFFFE0];
	v60 =	vmul.f32 v54, v2;
	v35 =	vmul.f32 v27, v54;
	v20 =	vsub.f32 v58, v20  }
0x7f: {  	v32 =	vmin.f32 v58, v32  }
0x80: {  	v61 =	vmin.f32 v35, v60;
	v20 =	vclamp.gez.f32 v20, v32  }
0x81: {  	v20 =	vadd.f32 v20, v61;
	_ =	sdelay $0x1  }
0x82: {  	v62 =	vsub.f32 $1.000000000e+00, v59;
	v27 =	vsub.f32 v27, v20;
	_ =	sdelay $0x1  }
0x83: {  	v16 =	vmul.f32 v62, v16;
	v63 =	vmul.f32 v27, v62  }
0x84: {  	v15 =	vsub.f32 v15, v17;
	v32 =	vmul.f32 v62, v1  }
0x85: {  	v40 =	vld [tilespmem:s12+$0xFFFFFFF0];
	v41 =	vmul.f32 v59, v1;
	v34 =	vmul.f32 v27, v59;
	v16 =	vsub.f32 v63, v16  }
0x86: {  	v14 =	vsub.f32 v14, v19;
	v13 =	vsub.f32 v13, v21;
	[tilespmem:s13+$0xFFFFFF00] =	vst v17;
	v32 =	vmin.f32 v63, v32  }
0x87: {  	v12 =	vsub.f32 v12, v22;
	[tilespmem:s13+$0xFFFFFF10] =	vst v19;
	v42 =	vmin.f32 v34, v41;
	v16 =	vclamp.gez.f32 v16, v32  }
0x88: {  	v11 =	vsub.f32 v11, v23;
	[tilespmem:s13+$0xFFFFFF20] =	vst v21;
	v16 =	vadd.f32 v16, v42  }
0x89: {  	v7 =	vsub.f32 v7, v24;
	v10 =	vsub.f32 v10, v29;
	[tilespmem:s13+$0xFFFFFF30] =	vst v22  }
0x8a: {  	[tilespmem:s13+$0xFFFFFF40] =	vst v23;
	v43 =	vsub.f32 $1.000000000e+00, v40;
	v17 =	vsub.f32 v27, v16  }
0x8b: {  	v9 =	vsub.f32 v9, v30;
	v6 =	vsub.f32 v6, v25;
	[tilespmem:s13+$0xFFFFFF50] =	vst v24  }
0x8c: {  	[tilespmem:s13+$0xFFFFFF60] =	vst v29;
	v8 =	vsub.f32 v8, v26;
	v45 =	vmul.f32 $0.0e+00, v43;
	v46 =	vmul.f32 v17, v43  }
0x8d: {  	[tilespmem:s13+$0xFFFFFF70] =	vst v30;
	v5 =	vsub.f32 v5, v28;
	v44 =	vmul.f32 v40, v0;
	v47 =	vmul.f32 v43, v0  }
0x8e: {  	[tilespmem:s13+$0xFFFFFF80] =	vst v25;
	v50 =	vadd.f32 v11, v12;
	v17 =	vmul.f32 v17, v40;
	v48 =	vsub.f32 v46, v45  }
0x8f: {  	[tilespmem:s13+$0xFFFFFF90] =	vst v26;
	v51 =	vadd.f32 v10, v7;
	v4 =	vsub.f32 v4, v31;
	v19 =	vmin.f32 v46, v47  }
0x90: {  	[tilespmem:s13+$0xFFFFFFA0] =	vst v28;
	v49 =	vadd.f32 v13, v14;
	v17 =	vmin.f32 v17, v44;
	v19 =	vclamp.gez.f32 v48, v19  }
0x91: {  	[tilespmem:s13+$0xFFFFFFB0] =	vst v31;
	v52 =	vadd.f32 v6, v9;
	v17 =	vadd.f32 v19, v17  }
0x92: {  	v3 =	vsub.f32 v3, v18;
	[tilespmem:s13+$0xFFFFFFC0] =	vst v18;
	v2 =	vsub.f32 v2, v20  }
0x93: {  	[tilespmem:s13+$0xFFFFFFD0] =	vst v20;
	v1 =	vsub.f32 v1, v16;
	v0 =	vsub.f32 v0, v17  }
0x94: {  	v53 =	vadd.f32 v5, v8;
	v54 =	vadd.f32 v3, v4;
	[tilespmem:s13+$0xFFFFFFE0] =	vst v16  }
0x95: {  	v55 =	vadd.f32 v1, v2;
	[tilespmem:s13+$0xFFFFFFF0] =	vst v17;
	v16 =	vadd.f32 $0.0e+00, v0  }
0x96: {  	v29 =	vadd.f32 v52, v51;
	v18 =	vadd.f32 v50, v49;
	v17 =	vld [tilespmem:s12+$0x0]  }
0x97: {  	v30 =	vadd.f32 v54, v53;
	v19 =	vadd.f32 v16, v55;
	_ =	sdelay $0x1  }
0x98: {  	v18 =	vadd.f32 v29, v18;
	v25 =	vadd.f32 v19, v30  }
0x99: {  	v33 =	vadd.f32 v8, v6;
	v57 =	vadd.f32 v9, v10  }
0x9a: {  	v58 =	vsub.f32 $1.000000000e+00, v17;
	v18 =	vadd.f32 v25, v18  }
0x9b: {  	v31 =	vadd.f32 v7, v11;
	v56 =	vadd.f32 v12, v13  }
0x9c: {  	v38 =	vadd.f32 v33, v57;
	v59 =	vadd.f32 v4, v5;
	v18 =	vmul.f32 v18, v58  }
0x9d: {  	v60 =	vadd.f32 v2, v3;
	v45 =	vld [tilespmem:s12+$0x10];
	v61 =	vadd.f32 v0, v1;
	v63 =	vmul.f32 v58, v15  }
0x9e: {  	v62 =	vadd.f32 v31, v56;
	v46 =	vmul.f32 v17, v15;
	v18 =	vsub.f32 v58, v18  }
0x9f: {  	v39 =	vadd.f32 v60, v59;
	v20 =	vadd.f32 $0.0e+00, v61;
	v27 =	vmin.f32 v58, v63  }
0xa0: {  	v37 =	vadd.f32 v38, v62;
	v17 =	vmin.f32 v17, v46;
	v18 =	vclamp.gez.f32 v18, v27  }
0xa1: {  	v27 =	vadd.f32 v20, v39;
	v17 =	vadd.f32 v18, v17  }
0xa2: {  	v48 =	vsub.f32 $1.000000000e+00, v45  }
0xa3: {  	v47 =	vadd.f32 v27, v37;
	v49 =	vsub.f32 $1.000000000e+00, v17;
	_ =	sdelay $0x1  }
0xa4: {  	v21 =	vadd.f32 v51, v50;
	v18 =	vmul.f32 v47, v48;
	v50 =	vmul.f32 v49, v48  }
0xa5: {  	v24 =	vadd.f32 v53, v52;
	v26 =	vadd.f32 v55, v54;
	v51 =	vmul.f32 v48, v14  }
0xa6: {  	v52 =	vld [tilespmem:s12+$0x20];
	v53 =	vmul.f32 v45, v14;
	v41 =	vmul.f32 v49, v45;
	v18 =	vsub.f32 v50, v18  }
0xa7: {  	v21 =	vadd.f32 v24, v21;
	v22 =	vmin.f32 v50, v51  }
0xa8: {  	v42 =	vadd.f32 v16, v26;
	v54 =	vmin.f32 v41, v53;
	v18 =	vclamp.gez.f32 v18, v22  }
0xa9: {  	v18 =	vadd.f32 v18, v54  }
0xaa: {  	v21 =	vadd.f32 v42, v21  }
0xab: {  	v55 =	vsub.f32 $1.000000000e+00, v52;
	v56 =	vsub.f32 v49, v18;
	_ =	sdelay $0x1  }
0xac: {  	v31 =	vadd.f32 v57, v31;
	v21 =	vmul.f32 v21, v55;
	v57 =	vmul.f32 v56, v55  }
0xad: {  	v33 =	vadd.f32 v59, v33;
	v34 =	vadd.f32 v61, v60;
	v22 =	vmul.f32 v55, v13  }
0xae: {  	v59 =	vmul.f32 v52, v13;
	v58 =	vld [tilespmem:s12+$0x30];
	v28 =	vmul.f32 v56, v52;
	v21 =	vsub.f32 v57, v21  }
0xaf: {  	v31 =	vadd.f32 v33, v31;
	v22 =	vmin.f32 v57, v22  }
0xb0: {  	v32 =	vadd.f32 $0.0e+00, v34;
	v60 =	vmin.f32 v28, v59;
	v21 =	vclamp.gez.f32 v21, v22  }
0xb1: {  	v21 =	vadd.f32 v21, v60  }
0xb2: {  	v61 =	vadd.f32 v32, v31  }
0xb3: {  	v62 =	vsub.f32 $1.000000000e+00, v58;
	v23 =	vsub.f32 v56, v21;
	_ =	sdelay $0x1  }
0xb4: {  	v22 =	vmul.f32 v61, v62;
	v63 =	vmul.f32 v23, v62  }
0xb5: {  	v28 =	vmul.f32 v62, v12  }
0xb6: {  	v40 =	vld [tilespmem:s12+$0x40];
	v41 =	vmul.f32 v58, v12;
	v35 =	vmul.f32 v23, v58;
	v22 =	vsub.f32 v63, v22  }
0xb7: {  	v28 =	vmin.f32 v63, v28  }
0xb8: {  	v29 =	vadd.f32 v30, v29;
	v43 =	vmin.f32 v35, v41;
	v22 =	vclamp.gez.f32 v22, v28  }
0xb9: {  	v22 =	vadd.f32 v22, v43  }
0xba: {  	v44 =	vadd.f32 v19, v29  }
0xbb: {  	v45 =	vsub.f32 $1.000000000e+00, v40;
	v46 =	vsub.f32 v23, v22;
	_ =	sdelay $0x1  }
0xbc: {  	v47 =	vmul.f32 v44, v45;
	v48 =	vmul.f32 v46, v45  }
0xbd: {  	v29 =	vmul.f32 v45, v11  }
0xbe: {  	v50 =	vmul.f32 v40, v11;
	v49 =	vld [tilespmem:s12+$0x50];
	v36 =	vmul.f32 v46, v40;
	v23 =	vsub.f32 v48, v47  }
0xbf: {  	v28 =	vmin.f32 v48, v29  }
0xc0: {  	v51 =	vadd.f32 v39, v38;
	v52 =	vmin.f32 v36, v50;
	v23 =	vclamp.gez.f32 v23, v28  }
0xc1: {  	v23 =	vadd.f32 v23, v52  }
0xc2: {  	v53 =	vadd.f32 v20, v51  }
0xc3: {  	v54 =	vsub.f32 $1.000000000e+00, v49;
	v30 =	vsub.f32 v46, v23;
	_ =	sdelay $0x1  }
0xc4: {  	v28 =	vmul.f32 v53, v54;
	v55 =	vmul.f32 v30, v54  }
0xc5: {  	v29 =	vmul.f32 v54, v7  }
0xc6: {  	v57 =	vmul.f32 v7, v49;
	v56 =	vld [tilespmem:s12+$0x60];
	v31 =	vmul.f32 v30, v49;
	v28 =	vsub.f32 v55, v28  }
0xc7: {  	v29 =	vmin.f32 v55, v29  }
0xc8: {  	v26 =	vadd.f32 v26, v24;
	v59 =	vmin.f32 v31, v57;
	v58 =	vclamp.gez.f32 v28, v29  }
0xc9: {  	v24 =	vadd.f32 v58, v59  }
0xca: {  	v26 =	vadd.f32 v16, v26  }
0xcb: {  	v60 =	vsub.f32 $1.000000000e+00, v56;
	v61 =	vsub.f32 v30, v24;
	_ =	sdelay $0x1  }
0xcc: {  	v26 =	vmul.f32 v26, v60;
	v30 =	vmul.f32 v61, v60  }
0xcd: {  	v62 =	vld [tilespmem:s12+$0x70];
	v28 =	vmul.f32 v10, v60  }
0xce: {  	v63 =	vmul.f32 v10, v56;
	v36 =	vmul.f32 v61, v56;
	v26 =	vsub.f32 v30, v26  }
0xcf: {  	v28 =	vmin.f32 v30, v28  }
0xd0: {  	v41 =	vmin.f32 v36, v63;
	v26 =	vclamp.gez.f32 v26, v28  }
0xd1: {  	v40 =	vadd.f32 v34, v33;
	v26 =	vadd.f32 v26, v41  }
0xd2: {  	v44 =	vsub.f32 $1.000000000e+00, v62  }
0xd3: {  	v43 =	vadd.f32 $0.0e+00, v40;
	v29 =	vsub.f32 v61, v26;
	_ =	sdelay $0x1  }
0xd4: {  	v28 =	vmul.f32 v43, v44;
	v45 =	vmul.f32 v29, v44  }
0xd5: {  	v30 =	vmul.f32 v9, v44  }
0xd6: {  	v47 =	vmul.f32 v9, v62;
	v46 =	vld [tilespmem:s12+$0x80];
	v31 =	vmul.f32 v29, v62;
	v28 =	vsub.f32 v45, v28  }
0xd7: {  	v30 =	vmin.f32 v45, v30  }
0xd8: {  	v48 =	vmin.f32 v31, v47;
	v28 =	vclamp.gez.f32 v28, v30  }
0xd9: {  	v28 =	vadd.f32 v28, v48;
	_ =	sdelay $0x1  }
0xda: {  	v49 =	vsub.f32 $1.000000000e+00, v46;
	v29 =	vsub.f32 v29, v28;
	_ =	sdelay $0x1  }
0xdb: {  	v25 =	vmul.f32 v25, v49;
	v50 =	vmul.f32 v29, v49  }
0xdc: {  	v30 =	vmul.f32 v6, v49  }
0xdd: {  	v51 =	vld [tilespmem:s12+$0x90];
	v52 =	vmul.f32 v6, v46;
	v34 =	vmul.f32 v29, v46;
	v25 =	vsub.f32 v50, v25  }
0xde: {  	v30 =	vmin.f32 v50, v30  }
0xdf: {  	v53 =	vmin.f32 v34, v52;
	v25 =	vclamp.gez.f32 v25, v30  }
0xe0: {  	v25 =	vadd.f32 v25, v53;
	_ =	sdelay $0x1  }
0xe1: {  	v54 =	vsub.f32 $1.000000000e+00, v51;
	v29 =	vsub.f32 v29, v25;
	_ =	sdelay $0x1  }
0xe2: {  	v27 =	vmul.f32 v27, v54;
	v55 =	vmul.f32 v29, v54  }
0xe3: {  	v30 =	vmul.f32 v8, v54  }
0xe4: {  	v57 =	vmul.f32 v8, v51;
	v56 =	vld [tilespmem:s12+$0xA0];
	v33 =	vmul.f32 v29, v51;
	v27 =	vsub.f32 v55, v27  }
0xe5: {  	v30 =	vmin.f32 v55, v30  }
0xe6: {  	v58 =	vmin.f32 v33, v57;
	v27 =	vclamp.gez.f32 v27, v30  }
0xe7: {  	v27 =	vadd.f32 v27, v58;
	_ =	sdelay $0x1  }
0xe8: {  	v59 =	vsub.f32 $1.000000000e+00, v56;
	v29 =	vsub.f32 v29, v27;
	_ =	sdelay $0x1  }
0xe9: {  	v60 =	vmul.f32 v42, v59;
	v61 =	vmul.f32 v29, v59  }
0xea: {  	v30 =	vmul.f32 v5, v59  }
0xeb: {  	v63 =	vmul.f32 v5, v56;
	v62 =	vld [tilespmem:s12+$0xB0];
	v34 =	vmul.f32 v29, v56;
	v31 =	vsub.f32 v61, v60  }
0xec: {  	v30 =	vmin.f32 v61, v30  }
0xed: {  	v38 =	vmin.f32 v34, v63;
	v30 =	vclamp.gez.f32 v31, v30  }
0xee: {  	v30 =	vadd.f32 v30, v38;
	_ =	sdelay $0x1  }
0xef: {  	v39 =	vsub.f32 $1.000000000e+00, v62;
	v29 =	vsub.f32 v29, v30;
	_ =	sdelay $0x1  }
0xf0: {  	v32 =	vmul.f32 v32, v39;
	v40 =	vmul.f32 v29, v39  }
0xf1: {  	v31 =	vmul.f32 v4, v39  }
0xf2: {  	v41 =	vld [tilespmem:s12+$0xC0];
	v42 =	vmul.f32 v4, v62;
	v35 =	vmul.f32 v29, v62;
	v32 =	vsub.f32 v40, v32  }
0xf3: {  	v31 =	vmin.f32 v40, v31  }
0xf4: {  	v43 =	vmin.f32 v35, v42;
	v31 =	vclamp.gez.f32 v32, v31  }
0xf5: {  	v31 =	vadd.f32 v31, v43;
	_ =	sdelay $0x1  }
0xf6: {  	v44 =	vsub.f32 $1.000000000e+00, v41;
	v29 =	vsub.f32 v29, v31;
	_ =	sdelay $0x1  }
0xf7: {  	v19 =	vmul.f32 v19, v44;
	v45 =	vmul.f32 v29, v44  }
0xf8: {  	v32 =	vmul.f32 v3, v44  }
0xf9: {  	v47 =	vmul.f32 v3, v41;
	v46 =	vld [tilespmem:s12+$0xD0];
	v34 =	vmul.f32 v29, v41;
	v19 =	vsub.f32 v45, v19  }
0xfa: {  	v32 =	vmin.f32 v45, v32  }
0xfb: {  	v48 =	vmin.f32 v34, v47;
	v19 =	vclamp.gez.f32 v19, v32  }
0xfc: {  	v19 =	vadd.f32 v19, v48;
	_ =	sdelay $0x1  }
0xfd: {  	v49 =	vsub.f32 $1.000000000e+00, v46;
	v29 =	vsub.f32 v29, v19;
	_ =	sdelay $0x1  }
0xfe: {  	v20 =	vmul.f32 v20, v49;
	v50 =	vmul.f32 v29, v49  }
0xff: {  	v32 =	vmul.f32 v2, v49  }
0x100: {  	v52 =	vmul.f32 v2, v46;
	v51 =	vld [tilespmem:s12+$0xE0];
	v35 =	vmul.f32 v29, v46;
	v20 =	vsub.f32 v50, v20  }
0x101: {  	v32 =	vmin.f32 v50, v32  }
0x102: {  	v53 =	vmin.f32 v35, v52;
	v20 =	vclamp.gez.f32 v20, v32  }
0x103: {  	v20 =	vadd.f32 v20, v53;
	_ =	sdelay $0x1  }
0x104: {  	v54 =	vsub.f32 $1.000000000e+00, v51;
	v29 =	vsub.f32 v29, v20;
	_ =	sdelay $0x1  }
0x105: {  	v16 =	vmul.f32 v16, v54;
	v56 =	vmul.f32 v29, v54  }
0x106: {  	v55 =	vld [tilespmem:s12+$0xF0];
	[tilespmem:s13+$0x0] =	vst v17;
	v32 =	vmul.f32 v1, v54  }
0x107: {  	[tilespmem:s13+$0x10] =	vst v18;
	v57 =	vmul.f32 v1, v51;
	v34 =	vmul.f32 v29, v51;
	v16 =	vsub.f32 v56, v16  }
0x108: {  	[tilespmem:s13+$0x20] =	vst v21;
	v32 =	vmin.f32 v56, v32  }
0x109: {  	[tilespmem:s13+$0x30] =	vst v22;
	v58 =	vmin.f32 v34, v57;
	v16 =	vclamp.gez.f32 v16, v32  }
0x10a: {  	v15 =	vsub.f32 v15, v17;
	[tilespmem:s13+$0x40] =	vst v23;
	v16 =	vadd.f32 v16, v58  }
0x10b: {  	v14 =	vsub.f32 v14, v18;
	v13 =	vsub.f32 v13, v21;
	[tilespmem:s13+$0x50] =	vst v24  }
0x10c: {  	[tilespmem:s13+$0x60] =	vst v26;
	v17 =	vsub.f32 $1.000000000e+00, v55;
	v29 =	vsub.f32 v29, v16  }
0x10d: {  	v12 =	vsub.f32 v12, v22;
	v11 =	vsub.f32 v11, v23;
	[tilespmem:s13+$0x70] =	vst v28  }
0x10e: {  	v7 =	vsub.f32 v7, v24;
	[tilespmem:s13+$0x80] =	vst v25;
	v59 =	vmul.f32 $0.0e+00, v17;
	v60 =	vmul.f32 v29, v17  }
0x10f: {  	s11 =	sadd.s32 $0x2, s11;
	v10 =	vsub.f32 v10, v26;
	v9 =	vsub.f32 v9, v28;
	[tilespmem:s13+$0x90] =	vst v27;
	v17 =	vmul.f32 v0, v17  }
0x110: {  	p0 =	slt.u32 s11, $0xE;
	[tilespmem:s13+$0xA0] =	vst v30;
	v62 =	vmul.f32 v0, v55;
	v61 =	vmul.f32 v29, v55;
	v18 =	vsub.f32 v60, v59  }
.Ltmp0:
0x111: {  	v6 =	vsub.f32 v6, v25;
	v8 =	vsub.f32 v8, v27;
	[tilespmem:s13+$0xB0] =	vst v31;
	v17 =	vmin.f32 v60, v17;
	(pc) =	sbr.rel @p0 .LBB2_2-.Ltmp0, $4  }
0x112: {  	v5 =	vsub.f32 v5, v30;
	[tilespmem:s13+$0xC0] =	vst v19;
	v63 =	vmin.f32 v61, v62;
	v17 =	vclamp.gez.f32 v18, v17  }
0x113: {  	v4 =	vsub.f32 v4, v31;
	[tilespmem:s13+$0xD0] =	vst v20;
	v17 =	vadd.f32 v17, v63  }
0x114: {  	v3 =	vsub.f32 v3, v19;
	v2 =	vsub.f32 v2, v20;
	[tilespmem:s13+$0xE0] =	vst v16  }
0x115: {  	s12 =	sadd.s32 $0x200, s12;
	v1 =	vsub.f32 v1, v16;
	[tilespmem:s13+$0xF0] =	vst v17;
	v0 =	vsub.f32 v0, v17;
	s13 =	sadd.s32 $0x200, s13  }
0x116: {  	s10 =	sadd.s32 $0x1, s10  }
0x117: {  	p0 =	sne.s32 s10, s5  }
.Ltmp1:
0x118: {  	_ = 	snop;
	(pc) =	sbr.rel @p0 .LBB2_1-.Ltmp1, $4  }
0x119: {  	[hbm4b:s4+s6] =	stream.strided.scatter [tilespmem:s9], [sflag:$0x1], $0x1000, s7, s6, $0x38;
	[tilespmem:$0x2000] =	vst v63  }
0x11a: {  	_ =	swait.ge [sflag:s8], $0x1000  }
0x11b: {  	[sflag:s8] =	ssyncset.done $0x0  }
0x11c: {  	[sflag:s8] =	ssyncadd.s32 $0xFFFFF000  }
0x11d: {  	_ =	sfence.sel $0x180000  }
0x11e: {  	[bflag:$0x0] =	sbarrier.arrive $0xFFFF  }
0x11f: {  	p0 =	sne.s32 s1, $0x0;
	_ =	strace $0x90000047  }
0x120: {  	s0 =	sadd.s32 @!p0 $0x100000, s0;
	[bflag:$0x2] =	sbarrier.arrive $0xFFFF  }
0x121: {  	[sflag:s0] =	ssyncadd.tile.s32 @!p0 $0x1;
	_ =	shalt  }
.Lfunc_end2:
_tile_overlayer_lowered:
.L_overlay_start_2:
0x122: {  	(tag) =	ssettag $0x2  }
0x123: {  	s0 =	rddreg [dreg:$0x0];
	s2 =	stileid.u32  }
0x124: {  	s1 =	rddreg [dreg:$0x1];
	p0 =	sne.s32 s2, $0x0  }
0x125: {  	s3 =	rddreg [dreg:$0x2];
	[bflag:$0x3] =	sbarrier.arrive $0xFFFF;
	s2 =	simm.s32 @!p0 $0x1C01  }
0x126: {  	[timem:s3], [sflag:s2] =	dma.local @!p0 [hbm:s0], s1  }
0x127: {  	s0 =	simm.s32 @!p0 $0x1  }
0x128: {  	_ =	swait.ge @!p0 [sflag:s0], s1  }
0x129: {  	s1 =	ssub.s32 @!p0 $0x0, s1;
	[sflag:s0] =	ssyncset.done @!p0 $0x0  }
0x12a: {  	[sflag:s0] =	ssyncadd.s32 @!p0 s1  }
0x12b: {  	[bflag:$0x3] =	sbarrier.arrive $0xFFFF  }
0x12c: {  	_ =	shalt  }

</sc_bundles>
